<compile_context>
chip_gen: v7x
topology: tpu7x:2x2x1
jax: 0.10.2.dev20260603
libtpu: 0.0.44.dev20260713+nightly
codegen_flags: <defaults>
</compile_context>

<pallas_src>
import functools

import jax
import jax.numpy as jnp
from jax import lax
from jax.experimental import pallas as pl
from jax.experimental.pallas import tpu as pltpu
from jax.experimental.pallas import tpu_sc as plsc

NUM_EXPERTS = 8
TOP_K = 2
BLK = 4096
L = 16


def _matmul_block(x_ref, w_ref, logits_t_ref):
    logits_t_ref[...] = jax.lax.dot_general(
        w_ref[...], x_ref[...], (((1,), (1,)), ((), ())),
        preferred_element_type=jnp.float32,
    )


def _make_sc_topk(n):
    info = plsc.get_sparse_core_info()
    nc, ns = info.num_cores, info.num_subcores
    nw = nc * ns
    chunk = n // nw
    mesh = plsc.VectorSubcoreMesh(core_axis_name="c", subcore_axis_name="s")

    @functools.partial(
        pl.kernel,
        mesh=mesh,
        out_type=jax.ShapeDtypeStruct((4, n), jnp.float32),
        scratch_types=[
            pltpu.VMEM((NUM_EXPERTS, chunk), jnp.float32),
            pltpu.VMEM((4, chunk), jnp.float32),
        ],
    )
    def sc_topk(logits_hbm, aux_hbm, logits_v, aux_v):
        wid = lax.axis_index("s") * nc + lax.axis_index("c")
        base = wid * chunk
        pltpu.sync_copy(logits_hbm.at[:, pl.ds(base, chunk)], logits_v)

        def body(g, _):
            t = g * L
            m1 = logits_v[0, pl.ds(t, L)]
            i1 = jnp.zeros((L,), jnp.float32)
            m2 = jnp.full((L,), -jnp.inf, jnp.float32)
            i2 = jnp.zeros((L,), jnp.float32)
            for e in range(1, NUM_EXPERTS):
                le = logits_v[e, pl.ds(t, L)]
                ef = jnp.full((L,), float(e), jnp.float32)
                beats1 = le > m1
                beats2 = le > m2
                m2 = jnp.where(beats1, m1, jnp.where(beats2, le, m2))
                i2 = jnp.where(beats1, i1, jnp.where(beats2, ef, i2))
                m1 = jnp.where(beats1, le, m1)
                i1 = jnp.where(beats1, ef, i1)
            ex = jnp.exp(m2 - m1)
            w2 = ex / (1.0 + ex)
            aux_v[0, pl.ds(t, L)] = i1
            aux_v[1, pl.ds(t, L)] = i2
            aux_v[2, pl.ds(t, L)] = 1.0 - w2
            aux_v[3, pl.ds(t, L)] = w2
            return _

        lax.fori_loop(0, chunk // L, body, 0)
        pltpu.sync_copy(aux_v, aux_hbm.at[:, pl.ds(base, chunk)])

    return sc_topk


@jax.jit
def kernel(hidden_states, W_gate):
    b, s, d = hidden_states.shape
    n = b * s
    x = hidden_states.reshape(n, d)

    nchunk = 4
    cn = n // nchunk
    sc_topk = _make_sc_topk(cn)
    logit_chunks = []
    aux_chunks = []
    for c in range(nchunk):
        lt_c = pl.pallas_call(
            _matmul_block,
            grid=(cn // BLK,),
            in_specs=[
                pl.BlockSpec((BLK, d), lambda i, c=c: (c * (cn // BLK) + i, 0)),
                pl.BlockSpec((NUM_EXPERTS, d), lambda i: (0, 0)),
            ],
            out_specs=pl.BlockSpec((NUM_EXPERTS, BLK), lambda i: (0, i)),
            out_shape=jax.ShapeDtypeStruct((NUM_EXPERTS, cn), jnp.float32),
        )(x, W_gate)
        logit_chunks.append(lt_c)
        aux_chunks.append(sc_topk(lt_c))

    logits_t = jnp.concatenate(logit_chunks, axis=1)
    aux = jnp.concatenate(aux_chunks, axis=1)
    router_logits = logits_t.T
    topk_idx = aux[0:TOP_K].T.astype(jnp.int32)
    expert_weights = aux[TOP_K : 2 * TOP_K].T
    return (router_logits, topk_idx, expert_weights)

# --- scband reference (transcript-rebuilt; emitter-appended) ---
"""Pipeline reference for scband-top-krouter-63496796504386 (READ-ONLY COPY).

The authoritative reference and input builder live on the scoring server;
editing this copy changes nothing except your own understanding.
"""

import jax, jax.numpy as jnp
import numpy as np

NUM_EXPERTS = 8
TOP_K = 2

def setup_inputs(seed: int = 0) -> dict:
    key = jax.random.key(seed)
    k1, k2 = jax.random.split(key)
    hidden_states = jax.random.normal(k1, (4, 8192, 768), dtype=jnp.float32)
    W_gate = jax.random.normal(k2, (NUM_EXPERTS, 768), dtype=jnp.float32) * 0.02
    return {"hidden_states": hidden_states, "W_gate": W_gate}

def reference(hidden_states, W_gate):
    b, s, d = hidden_states.shape
    hidden_states_flat = hidden_states.reshape(-1, d)
    # gate: nn.Linear(hidden_size, num_experts, bias=False) -> x @ W^T
    router_logits = hidden_states_flat @ W_gate.T
    # domain_specific_routing is False; training jitter disabled (eval mode)
    topk_logits, topk_indices = jax.lax.top_k(router_logits, TOP_K)
    expert_weights = jax.nn.softmax(topk_logits, axis=-1)
    return (router_logits, topk_indices, expert_weights)

if __name__ == "__main__":
    import jax
    _d = setup_inputs()
    print(jax.jit(kernel)(*tuple(_d.values())))

</pallas_src>

<mosaic_0001>
#map = affine_map<(d0, d1) -> (0, 0)>
module attributes {stable_mosaic.version = 14 : i64} {
  func.func @sc_topk(%arg0: i32, %arg1: i32, %arg2: memref<8x8192xf32, #tpu.memory_space<hbm>>, %arg3: memref<4x8192xf32, #tpu.memory_space<hbm>>, %arg4: memref<8x256xf32, #tpu.memory_space<vmem>>, %arg5: memref<4x256xf32, #tpu.memory_space<vmem>>) attributes {dimension_semantics = [#tpu.dimension_semantics<core_parallel>, #tpu.dimension_semantics<subcore_parallel>], iteration_bounds = array<i64: 2, 16>, scalar_prefetch = 0 : i64, scratch_operands = 2 : i64, tpu.core_type = #tpu.core_type<sc_vector_subcore>, window_params = [{transform_indices = #map}, {transform_indices = #map}]} {
    %mul3A = arith.constant 2 : i32
    %mul3A_0 = arith.muli %arg1, %mul3A : i32
    %add3A = arith.addi %mul3A_0, %arg0 : i32
    %mul3A_1 = arith.constant 256 : i32
    %mul3A_2 = arith.muli %add3A, %mul3A_1 : i32
    "tpu.region"() ({
      %run_scoped3A = tpu.sem_alloc : memref<!tpu.dma_semaphore, #tpu.memory_space<semaphore_mem>>
      %dma_start3A = arith.constant 0 : i32
      %dma_start3A_8 = tpu.memref_slice %arg2[%dma_start3A, %mul3A_2] : memref<8x8192xf32, #tpu.memory_space<hbm>> -> memref<8x256xf32, #tpu.memory_space<hbm>>
      %dma_start3A_9 = arith.constant 0 : i32
      %dma_start3A_10 = tpu.memref_slice %arg2[%dma_start3A_9, %mul3A_2] : memref<8x8192xf32, #tpu.memory_space<hbm>> -> memref<8x256xf32, #tpu.memory_space<hbm>>
      tpu.enqueue_dma source(%dma_start3A_10 : memref<8x256xf32, #tpu.memory_space<hbm>>) target(%arg4 : memref<8x256xf32, #tpu.memory_space<vmem>>) target_semaphore(%run_scoped3A : memref<!tpu.dma_semaphore, #tpu.memory_space<semaphore_mem>>)
      %dma_wait3A = arith.constant 0 : i32
      %dma_wait3A_11 = tpu.memref_slice %arg2[%dma_wait3A, %mul3A_2] : memref<8x8192xf32, #tpu.memory_space<hbm>> -> memref<8x256xf32, #tpu.memory_space<hbm>>
      %dma_wait3A_12 = arith.constant 0 : i32
      %dma_wait3A_13 = tpu.memref_slice %arg2[%dma_wait3A_12, %mul3A_2] : memref<8x8192xf32, #tpu.memory_space<hbm>> -> memref<8x256xf32, #tpu.memory_space<hbm>>
      tpu.wait_dma2 semaphore(%run_scoped3A : memref<!tpu.dma_semaphore, #tpu.memory_space<semaphore_mem>>) src(%dma_wait3A_13 : memref<8x256xf32, #tpu.memory_space<hbm>>) dst(%arg4 : memref<8x256xf32, #tpu.memory_space<vmem>>)
      tpu.yield
    }) : () -> ()
    %scan3A = arith.constant 0 : i32
    %scan3A_3 = arith.constant 0 : i32
    %scan3A_4 = arith.constant 16 : i32
    %scan3A_5 = arith.addi %scan3A_3, %scan3A_4 : i32
    %scan3A_6 = arith.constant 1 : i32
    scf.for %scan3A_8 = %scan3A_3 to %scan3A_5 step %scan3A_6  : i32 {
      %mul3A_9 = arith.constant 16 : i32
      %mul3A_10 = arith.muli %scan3A_8, %mul3A_9 : i32
      %get3A = arith.constant 0 : i32
      %get3A_11 = arith.index_cast %get3A : i32 to index
      %get3A_12 = arith.index_cast %mul3A_10 : i32 to index
      %get3A_13 = tpu.vector_load %arg4[%get3A_11, %get3A_12] {strides = array<i32>} : memref<8x256xf32, #tpu.memory_space<vmem>>, vector<1x16xf32>,
      %get3A_14 = vector.shape_cast %get3A_13 : vector<1x16xf32> to vector<16xf32>
      %broadcast_in_dim3A = arith.constant 0.000000e+00 : f32
      %broadcast_in_dim3A_15 = vector.broadcast %broadcast_in_dim3A : f32 to vector<16xf32>
      %broadcast_in_dim3A_16 = arith.constant 0xFF800000 : f32
      %broadcast_in_dim3A_17 = vector.broadcast %broadcast_in_dim3A_16 : f32 to vector<16xf32>
      %broadcast_in_dim3A_18 = arith.constant 0.000000e+00 : f32
      %broadcast_in_dim3A_19 = vector.broadcast %broadcast_in_dim3A_18 : f32 to vector<16xf32>
      %get3A_20 = arith.constant 1 : i32
      %get3A_21 = arith.index_cast %get3A_20 : i32 to index
      %get3A_22 = arith.index_cast %mul3A_10 : i32 to index
      %get3A_23 = tpu.vector_load %arg4[%get3A_21, %get3A_22] {strides = array<i32>} : memref<8x256xf32, #tpu.memory_space<vmem>>, vector<1x16xf32>,
      %get3A_24 = vector.shape_cast %get3A_23 : vector<1x16xf32> to vector<16xf32>
      %broadcast_in_dim3A_25 = arith.constant 1.000000e+00 : f32
      %broadcast_in_dim3A_26 = vector.broadcast %broadcast_in_dim3A_25 : f32 to vector<16xf32>
      %gt3A = arith.cmpf ogt, %get3A_24, %get3A_14 : vector<16xf32>
      %gt3A_27 = arith.cmpf ogt, %get3A_24, %broadcast_in_dim3A_17 : vector<16xf32>
      %select_n3A = arith.select %gt3A_27, %get3A_24, %broadcast_in_dim3A_17 : vector<16xi1>, vector<16xf32>
      %select_n3A_28 = arith.select %gt3A, %get3A_14, %select_n3A : vector<16xi1>, vector<16xf32>
      %select_n3A_29 = arith.select %gt3A_27, %broadcast_in_dim3A_26, %broadcast_in_dim3A_19 : vector<16xi1>, vector<16xf32>
      %select_n3A_30 = arith.select %gt3A, %broadcast_in_dim3A_15, %select_n3A_29 : vector<16xi1>, vector<16xf32>
      %select_n3A_31 = arith.select %gt3A, %get3A_24, %get3A_14 : vector<16xi1>, vector<16xf32>
      %select_n3A_32 = arith.select %gt3A, %broadcast_in_dim3A_26, %broadcast_in_dim3A_15 : vector<16xi1>, vector<16xf32>
      %get3A_33 = arith.constant 2 : i32
      %get3A_34 = arith.index_cast %get3A_33 : i32 to index
      %get3A_35 = arith.index_cast %mul3A_10 : i32 to index
      %get3A_36 = tpu.vector_load %arg4[%get3A_34, %get3A_35] {strides = array<i32>} : memref<8x256xf32, #tpu.memory_space<vmem>>, vector<1x16xf32>,
      %get3A_37 = vector.shape_cast %get3A_36 : vector<1x16xf32> to vector<16xf32>
      %broadcast_in_dim3A_38 = arith.constant 2.000000e+00 : f32
      %broadcast_in_dim3A_39 = vector.broadcast %broadcast_in_dim3A_38 : f32 to vector<16xf32>
      %gt3A_40 = arith.cmpf ogt, %get3A_37, %select_n3A_31 : vector<16xf32>
      %gt3A_41 = arith.cmpf ogt, %get3A_37, %select_n3A_28 : vector<16xf32>
      %select_n3A_42 = arith.select %gt3A_41, %get3A_37, %select_n3A_28 : vector<16xi1>, vector<16xf32>
      %select_n3A_43 = arith.select %gt3A_40, %select_n3A_31, %select_n3A_42 : vector<16xi1>, vector<16xf32>
      %select_n3A_44 = arith.select %gt3A_41, %broadcast_in_dim3A_39, %select_n3A_30 : vector<16xi1>, vector<16xf32>
      %select_n3A_45 = arith.select %gt3A_40, %select_n3A_32, %select_n3A_44 : vector<16xi1>, vector<16xf32>
      %select_n3A_46 = arith.select %gt3A_40, %get3A_37, %select_n3A_31 : vector<16xi1>, vector<16xf32>
      %select_n3A_47 = arith.select %gt3A_40, %broadcast_in_dim3A_39, %select_n3A_32 : vector<16xi1>, vector<16xf32>
      %get3A_48 = arith.constant 3 : i32
      %get3A_49 = arith.index_cast %get3A_48 : i32 to index
      %get3A_50 = arith.index_cast %mul3A_10 : i32 to index
      %get3A_51 = tpu.vector_load %arg4[%get3A_49, %get3A_50] {strides = array<i32>} : memref<8x256xf32, #tpu.memory_space<vmem>>, vector<1x16xf32>,
      %get3A_52 = vector.shape_cast %get3A_51 : vector<1x16xf32> to vector<16xf32>
      %broadcast_in_dim3A_53 = arith.constant 3.000000e+00 : f32
      %broadcast_in_dim3A_54 = vector.broadcast %broadcast_in_dim3A_53 : f32 to vector<16xf32>
      %gt3A_55 = arith.cmpf ogt, %get3A_52, %select_n3A_46 : vector<16xf32>
      %gt3A_56 = arith.cmpf ogt, %get3A_52, %select_n3A_43 : vector<16xf32>
      %select_n3A_57 = arith.select %gt3A_56, %get3A_52, %select_n3A_43 : vector<16xi1>, vector<16xf32>
      %select_n3A_58 = arith.select %gt3A_55, %select_n3A_46, %select_n3A_57 : vector<16xi1>, vector<16xf32>
      %select_n3A_59 = arith.select %gt3A_56, %broadcast_in_dim3A_54, %select_n3A_45 : vector<16xi1>, vector<16xf32>
      %select_n3A_60 = arith.select %gt3A_55, %select_n3A_47, %select_n3A_59 : vector<16xi1>, vector<16xf32>
      %select_n3A_61 = arith.select %gt3A_55, %get3A_52, %select_n3A_46 : vector<16xi1>, vector<16xf32>
      %select_n3A_62 = arith.select %gt3A_55, %broadcast_in_dim3A_54, %select_n3A_47 : vector<16xi1>, vector<16xf32>
      %get3A_63 = arith.constant 4 : i32
      %get3A_64 = arith.index_cast %get3A_63 : i32 to index
      %get3A_65 = arith.index_cast %mul3A_10 : i32 to index
      %get3A_66 = tpu.vector_load %arg4[%get3A_64, %get3A_65] {strides = array<i32>} : memref<8x256xf32, #tpu.memory_space<vmem>>, vector<1x16xf32>,
      %get3A_67 = vector.shape_cast %get3A_66 : vector<1x16xf32> to vector<16xf32>
      %broadcast_in_dim3A_68 = arith.constant 4.000000e+00 : f32
      %broadcast_in_dim3A_69 = vector.broadcast %broadcast_in_dim3A_68 : f32 to vector<16xf32>
      %gt3A_70 = arith.cmpf ogt, %get3A_67, %select_n3A_61 : vector<16xf32>
      %gt3A_71 = arith.cmpf ogt, %get3A_67, %select_n3A_58 : vector<16xf32>
      %select_n3A_72 = arith.select %gt3A_71, %get3A_67, %select_n3A_58 : vector<16xi1>, vector<16xf32>
      %select_n3A_73 = arith.select %gt3A_70, %select_n3A_61, %select_n3A_72 : vector<16xi1>, vector<16xf32>
      %select_n3A_74 = arith.select %gt3A_71, %broadcast_in_dim3A_69, %select_n3A_60 : vector<16xi1>, vector<16xf32>
      %select_n3A_75 = arith.select %gt3A_70, %select_n3A_62, %select_n3A_74 : vector<16xi1>, vector<16xf32>
      %select_n3A_76 = arith.select %gt3A_70, %get3A_67, %select_n3A_61 : vector<16xi1>, vector<16xf32>
      %select_n3A_77 = arith.select %gt3A_70, %broadcast_in_dim3A_69, %select_n3A_62 : vector<16xi1>, vector<16xf32>
      %get3A_78 = arith.constant 5 : i32
      %get3A_79 = arith.index_cast %get3A_78 : i32 to index
      %get3A_80 = arith.index_cast %mul3A_10 : i32 to index
      %get3A_81 = tpu.vector_load %arg4[%get3A_79, %get3A_80] {strides = array<i32>} : memref<8x256xf32, #tpu.memory_space<vmem>>, vector<1x16xf32>,
      %get3A_82 = vector.shape_cast %get3A_81 : vector<1x16xf32> to vector<16xf32>
      %broadcast_in_dim3A_83 = arith.constant 5.000000e+00 : f32
      %broadcast_in_dim3A_84 = vector.broadcast %broadcast_in_dim3A_83 : f32 to vector<16xf32>
      %gt3A_85 = arith.cmpf ogt, %get3A_82, %select_n3A_76 : vector<16xf32>
      %gt3A_86 = arith.cmpf ogt, %get3A_82, %select_n3A_73 : vector<16xf32>
      %select_n3A_87 = arith.select %gt3A_86, %get3A_82, %select_n3A_73 : vector<16xi1>, vector<16xf32>
      %select_n3A_88 = arith.select %gt3A_85, %select_n3A_76, %select_n3A_87 : vector<16xi1>, vector<16xf32>
      %select_n3A_89 = arith.select %gt3A_86, %broadcast_in_dim3A_84, %select_n3A_75 : vector<16xi1>, vector<16xf32>
      %select_n3A_90 = arith.select %gt3A_85, %select_n3A_77, %select_n3A_89 : vector<16xi1>, vector<16xf32>
      %select_n3A_91 = arith.select %gt3A_85, %get3A_82, %select_n3A_76 : vector<16xi1>, vector<16xf32>
      %select_n3A_92 = arith.select %gt3A_85, %broadcast_in_dim3A_84, %select_n3A_77 : vector<16xi1>, vector<16xf32>
      %get3A_93 = arith.constant 6 : i32
      %get3A_94 = arith.index_cast %get3A_93 : i32 to index
      %get3A_95 = arith.index_cast %mul3A_10 : i32 to index
      %get3A_96 = tpu.vector_load %arg4[%get3A_94, %get3A_95] {strides = array<i32>} : memref<8x256xf32, #tpu.memory_space<vmem>>, vector<1x16xf32>,
      %get3A_97 = vector.shape_cast %get3A_96 : vector<1x16xf32> to vector<16xf32>
      %broadcast_in_dim3A_98 = arith.constant 6.000000e+00 : f32
      %broadcast_in_dim3A_99 = vector.broadcast %broadcast_in_dim3A_98 : f32 to vector<16xf32>
      %gt3A_100 = arith.cmpf ogt, %get3A_97, %select_n3A_91 : vector<16xf32>
      %gt3A_101 = arith.cmpf ogt, %get3A_97, %select_n3A_88 : vector<16xf32>
      %select_n3A_102 = arith.select %gt3A_101, %get3A_97, %select_n3A_88 : vector<16xi1>, vector<16xf32>
      %select_n3A_103 = arith.select %gt3A_100, %select_n3A_91, %select_n3A_102 : vector<16xi1>, vector<16xf32>
      %select_n3A_104 = arith.select %gt3A_101, %broadcast_in_dim3A_99, %select_n3A_90 : vector<16xi1>, vector<16xf32>
      %select_n3A_105 = arith.select %gt3A_100, %select_n3A_92, %select_n3A_104 : vector<16xi1>, vector<16xf32>
      %select_n3A_106 = arith.select %gt3A_100, %get3A_97, %select_n3A_91 : vector<16xi1>, vector<16xf32>
      %select_n3A_107 = arith.select %gt3A_100, %broadcast_in_dim3A_99, %select_n3A_92 : vector<16xi1>, vector<16xf32>
      %get3A_108 = arith.constant 7 : i32
      %get3A_109 = arith.index_cast %get3A_108 : i32 to index
      %get3A_110 = arith.index_cast %mul3A_10 : i32 to index
      %get3A_111 = tpu.vector_load %arg4[%get3A_109, %get3A_110] {strides = array<i32>} : memref<8x256xf32, #tpu.memory_space<vmem>>, vector<1x16xf32>,
      %get3A_112 = vector.shape_cast %get3A_111 : vector<1x16xf32> to vector<16xf32>
      %broadcast_in_dim3A_113 = arith.constant 7.000000e+00 : f32
      %broadcast_in_dim3A_114 = vector.broadcast %broadcast_in_dim3A_113 : f32 to vector<16xf32>
      %gt3A_115 = arith.cmpf ogt, %get3A_112, %select_n3A_106 : vector<16xf32>
      %gt3A_116 = arith.cmpf ogt, %get3A_112, %select_n3A_103 : vector<16xf32>
      %select_n3A_117 = arith.select %gt3A_116, %get3A_112, %select_n3A_103 : vector<16xi1>, vector<16xf32>
      %select_n3A_118 = arith.select %gt3A_115, %select_n3A_106, %select_n3A_117 : vector<16xi1>, vector<16xf32>
      %select_n3A_119 = arith.select %gt3A_116, %broadcast_in_dim3A_114, %select_n3A_105 : vector<16xi1>, vector<16xf32>
      %select_n3A_120 = arith.select %gt3A_115, %select_n3A_107, %select_n3A_119 : vector<16xi1>, vector<16xf32>
      %select_n3A_121 = arith.select %gt3A_115, %get3A_112, %select_n3A_106 : vector<16xi1>, vector<16xf32>
      %select_n3A_122 = arith.select %gt3A_115, %broadcast_in_dim3A_114, %select_n3A_107 : vector<16xi1>, vector<16xf32>
      %sub3A = arith.subf %select_n3A_118, %select_n3A_121 : vector<16xf32>
      %exp3A = math.exp %sub3A : vector<16xf32>
      %add3A_123 = arith.constant 1.000000e+00 : f32
      %add3A_124 = vector.broadcast %add3A_123 : f32 to vector<16xf32>
      %add3A_125 = arith.addf %add3A_124, %exp3A : vector<16xf32>
      %div3A = arith.divf %exp3A, %add3A_125 : vector<16xf32>
      %swap3A = arith.constant 0 : i32
      %swap3A_126 = arith.index_cast %swap3A : i32 to index
      %swap3A_127 = arith.index_cast %mul3A_10 : i32 to index
      %swap3A_128 = tpu.vector_load %arg5[%swap3A_126, %swap3A_127] {strides = array<i32>} : memref<4x256xf32, #tpu.memory_space<vmem>>, vector<1x16xf32>,
      %swap3A_129 = vector.shape_cast %swap3A_128 : vector<1x16xf32> to vector<16xf32>
      %swap3A_130 = vector.shape_cast %select_n3A_122 : vector<16xf32> to vector<1x16xf32>
      tpu.vector_store %arg5[%swap3A_126, %swap3A_127], %swap3A_130 {strides = array<i32>} : memref<4x256xf32, #tpu.memory_space<vmem>>, vector<1x16xf32>,
      %swap3A_131 = arith.constant 1 : i32
      %swap3A_132 = arith.index_cast %swap3A_131 : i32 to index
      %swap3A_133 = arith.index_cast %mul3A_10 : i32 to index
      %swap3A_134 = tpu.vector_load %arg5[%swap3A_132, %swap3A_133] {strides = array<i32>} : memref<4x256xf32, #tpu.memory_space<vmem>>, vector<1x16xf32>,
      %swap3A_135 = vector.shape_cast %swap3A_134 : vector<1x16xf32> to vector<16xf32>
      %swap3A_136 = vector.shape_cast %select_n3A_120 : vector<16xf32> to vector<1x16xf32>
      tpu.vector_store %arg5[%swap3A_132, %swap3A_133], %swap3A_136 {strides = array<i32>} : memref<4x256xf32, #tpu.memory_space<vmem>>, vector<1x16xf32>,
      %sub3A_137 = arith.constant 1.000000e+00 : f32
      %sub3A_138 = vector.broadcast %sub3A_137 : f32 to vector<16xf32>
      %sub3A_139 = arith.subf %sub3A_138, %div3A : vector<16xf32>
      %swap3A_140 = arith.constant 2 : i32
      %swap3A_141 = arith.index_cast %swap3A_140 : i32 to index
      %swap3A_142 = arith.index_cast %mul3A_10 : i32 to index
      %swap3A_143 = tpu.vector_load %arg5[%swap3A_141, %swap3A_142] {strides = array<i32>} : memref<4x256xf32, #tpu.memory_space<vmem>>, vector<1x16xf32>,
      %swap3A_144 = vector.shape_cast %swap3A_143 : vector<1x16xf32> to vector<16xf32>
      %swap3A_145 = vector.shape_cast %sub3A_139 : vector<16xf32> to vector<1x16xf32>
      tpu.vector_store %arg5[%swap3A_141, %swap3A_142], %swap3A_145 {strides = array<i32>} : memref<4x256xf32, #tpu.memory_space<vmem>>, vector<1x16xf32>,
      %swap3A_146 = arith.constant 3 : i32
      %swap3A_147 = arith.index_cast %swap3A_146 : i32 to index
      %swap3A_148 = arith.index_cast %mul3A_10 : i32 to index
      %swap3A_149 = tpu.vector_load %arg5[%swap3A_147, %swap3A_148] {strides = array<i32>} : memref<4x256xf32, #tpu.memory_space<vmem>>, vector<1x16xf32>,
      %swap3A_150 = vector.shape_cast %swap3A_149 : vector<1x16xf32> to vector<16xf32>
      %swap3A_151 = vector.shape_cast %div3A : vector<16xf32> to vector<1x16xf32>
      tpu.vector_store %arg5[%swap3A_147, %swap3A_148], %swap3A_151 {strides = array<i32>} : memref<4x256xf32, #tpu.memory_space<vmem>>, vector<1x16xf32>,
    }
    %scan3A_7 = arith.constant 16 : i32
    "tpu.region"() ({
      %run_scoped3A = tpu.sem_alloc : memref<!tpu.dma_semaphore, #tpu.memory_space<semaphore_mem>>
      %dma_start3A = arith.constant 0 : i32
      %dma_start3A_8 = tpu.memref_slice %arg3[%dma_start3A, %mul3A_2] : memref<4x8192xf32, #tpu.memory_space<hbm>> -> memref<4x256xf32, #tpu.memory_space<hbm>>
      %dma_start3A_9 = arith.constant 0 : i32
      %dma_start3A_10 = tpu.memref_slice %arg3[%dma_start3A_9, %mul3A_2] : memref<4x8192xf32, #tpu.memory_space<hbm>> -> memref<4x256xf32, #tpu.memory_space<hbm>>
      tpu.enqueue_dma source(%arg5 : memref<4x256xf32, #tpu.memory_space<vmem>>) target(%dma_start3A_10 : memref<4x256xf32, #tpu.memory_space<hbm>>) target_semaphore(%run_scoped3A : memref<!tpu.dma_semaphore, #tpu.memory_space<semaphore_mem>>)
      %dma_wait3A = arith.constant 0 : i32
      %dma_wait3A_11 = tpu.memref_slice %arg3[%dma_wait3A, %mul3A_2] : memref<4x8192xf32, #tpu.memory_space<hbm>> -> memref<4x256xf32, #tpu.memory_space<hbm>>
      %dma_wait3A_12 = arith.constant 0 : i32
      %dma_wait3A_13 = tpu.memref_slice %arg3[%dma_wait3A_12, %mul3A_2] : memref<4x8192xf32, #tpu.memory_space<hbm>> -> memref<4x256xf32, #tpu.memory_space<hbm>>
      tpu.wait_dma2 semaphore(%run_scoped3A : memref<!tpu.dma_semaphore, #tpu.memory_space<semaphore_mem>>) src(%arg5 : memref<4x256xf32, #tpu.memory_space<vmem>>) dst(%dma_wait3A_13 : memref<4x256xf32, #tpu.memory_space<hbm>>)
      tpu.yield
    }) : () -> ()
    return
  }
}

#map = affine_map<(d0, d1) -> (0, 0)>
module attributes {stable_mosaic.version = 14 : i64} {
  func.func @sc_topk(%arg0: i32, %arg1: i32, %arg2: memref<8x8192xf32, #tpu.memory_space<hbm>>, %arg3: memref<4x8192xf32, #tpu.memory_space<hbm>>, %arg4: memref<8x256xf32, #tpu.memory_space<vmem>>, %arg5: memref<4x256xf32, #tpu.memory_space<vmem>>) attributes {dimension_semantics = [#tpu.dimension_semantics<core_parallel>, #tpu.dimension_semantics<subcore_parallel>], iteration_bounds = array<i64: 2, 16>, scalar_prefetch = 0 : i64, scratch_operands = 2 : i64, tpu.core_type = #tpu.core_type<sc_vector_subcore>, window_params = [{transform_indices = #map}, {transform_indices = #map}]} {
    %mul3A = arith.constant 2 : i32
    %mul3A_0 = arith.muli %arg1, %mul3A : i32
    %add3A = arith.addi %mul3A_0, %arg0 : i32
    %mul3A_1 = arith.constant 256 : i32
    %mul3A_2 = arith.muli %add3A, %mul3A_1 : i32
    "tpu.region"() ({
      %run_scoped3A = tpu.sem_alloc : memref<!tpu.dma_semaphore, #tpu.memory_space<semaphore_mem>>
      %dma_start3A = arith.constant 0 : i32
      %dma_start3A_8 = tpu.memref_slice %arg2[%dma_start3A, %mul3A_2] : memref<8x8192xf32, #tpu.memory_space<hbm>> -> memref<8x256xf32, #tpu.memory_space<hbm>>
      %dma_start3A_9 = arith.constant 0 : i32
      %dma_start3A_10 = tpu.memref_slice %arg2[%dma_start3A_9, %mul3A_2] : memref<8x8192xf32, #tpu.memory_space<hbm>> -> memref<8x256xf32, #tpu.memory_space<hbm>>
      tpu.enqueue_dma source(%dma_start3A_10 : memref<8x256xf32, #tpu.memory_space<hbm>>) target(%arg4 : memref<8x256xf32, #tpu.memory_space<vmem>>) target_semaphore(%run_scoped3A : memref<!tpu.dma_semaphore, #tpu.memory_space<semaphore_mem>>)
      %dma_wait3A = arith.constant 0 : i32
      %dma_wait3A_11 = tpu.memref_slice %arg2[%dma_wait3A, %mul3A_2] : memref<8x8192xf32, #tpu.memory_space<hbm>> -> memref<8x256xf32, #tpu.memory_space<hbm>>
      %dma_wait3A_12 = arith.constant 0 : i32
      %dma_wait3A_13 = tpu.memref_slice %arg2[%dma_wait3A_12, %mul3A_2] : memref<8x8192xf32, #tpu.memory_space<hbm>> -> memref<8x256xf32, #tpu.memory_space<hbm>>
      tpu.wait_dma2 semaphore(%run_scoped3A : memref<!tpu.dma_semaphore, #tpu.memory_space<semaphore_mem>>) src(%dma_wait3A_13 : memref<8x256xf32, #tpu.memory_space<hbm>>) dst(%arg4 : memref<8x256xf32, #tpu.memory_space<vmem>>)
      tpu.yield
    }) : () -> ()
    %scan3A = arith.constant 0 : i32
    %scan3A_3 = arith.constant 0 : i32
    %scan3A_4 = arith.constant 16 : i32
    %scan3A_5 = arith.addi %scan3A_3, %scan3A_4 : i32
    %scan3A_6 = arith.constant 1 : i32
    scf.for %scan3A_8 = %scan3A_3 to %scan3A_5 step %scan3A_6  : i32 {
      %mul3A_9 = arith.constant 16 : i32
      %mul3A_10 = arith.muli %scan3A_8, %mul3A_9 : i32
      %get3A = arith.constant 0 : i32
      %get3A_11 = arith.index_cast %get3A : i32 to index
      %get3A_12 = arith.index_cast %mul3A_10 : i32 to index
      %get3A_13 = tpu.vector_load %arg4[%get3A_11, %get3A_12] {strides = array<i32>} : memref<8x256xf32, #tpu.memory_space<vmem>>, vector<1x16xf32>,
      %get3A_14 = vector.shape_cast %get3A_13 : vector<1x16xf32> to vector<16xf32>
      %broadcast_in_dim3A = arith.constant 0.000000e+00 : f32
      %broadcast_in_dim3A_15 = vector.broadcast %broadcast_in_dim3A : f32 to vector<16xf32>
      %broadcast_in_dim3A_16 = arith.constant 0xFF800000 : f32
      %broadcast_in_dim3A_17 = vector.broadcast %broadcast_in_dim3A_16 : f32 to vector<16xf32>
      %broadcast_in_dim3A_18 = arith.constant 0.000000e+00 : f32
      %broadcast_in_dim3A_19 = vector.broadcast %broadcast_in_dim3A_18 : f32 to vector<16xf32>
      %get3A_20 = arith.constant 1 : i32
      %get3A_21 = arith.index_cast %get3A_20 : i32 to index
      %get3A_22 = arith.index_cast %mul3A_10 : i32 to index
      %get3A_23 = tpu.vector_load %arg4[%get3A_21, %get3A_22] {strides = array<i32>} : memref<8x256xf32, #tpu.memory_space<vmem>>, vector<1x16xf32>,
      %get3A_24 = vector.shape_cast %get3A_23 : vector<1x16xf32> to vector<16xf32>
      %broadcast_in_dim3A_25 = arith.constant 1.000000e+00 : f32
      %broadcast_in_dim3A_26 = vector.broadcast %broadcast_in_dim3A_25 : f32 to vector<16xf32>
      %gt3A = arith.cmpf ogt, %get3A_24, %get3A_14 : vector<16xf32>
      %gt3A_27 = arith.cmpf ogt, %get3A_24, %broadcast_in_dim3A_17 : vector<16xf32>
      %select_n3A = arith.select %gt3A_27, %get3A_24, %broadcast_in_dim3A_17 : vector<16xi1>, vector<16xf32>
      %select_n3A_28 = arith.select %gt3A, %get3A_14, %select_n3A : vector<16xi1>, vector<16xf32>
      %select_n3A_29 = arith.select %gt3A_27, %broadcast_in_dim3A_26, %broadcast_in_dim3A_19 : vector<16xi1>, vector<16xf32>
      %select_n3A_30 = arith.select %gt3A, %broadcast_in_dim3A_15, %select_n3A_29 : vector<16xi1>, vector<16xf32>
      %select_n3A_31 = arith.select %gt3A, %get3A_24, %get3A_14 : vector<16xi1>, vector<16xf32>
      %select_n3A_32 = arith.select %gt3A, %broadcast_in_dim3A_26, %broadcast_in_dim3A_15 : vector<16xi1>, vector<16xf32>
      %get3A_33 = arith.constant 2 : i32
      %get3A_34 = arith.index_cast %get3A_33 : i32 to index
      %get3A_35 = arith.index_cast %mul3A_10 : i32 to index
      %get3A_36 = tpu.vector_load %arg4[%get3A_34, %get3A_35] {strides = array<i32>} : memref<8x256xf32, #tpu.memory_space<vmem>>, vector<1x16xf32>,
      %get3A_37 = vector.shape_cast %get3A_36 : vector<1x16xf32> to vector<16xf32>
      %broadcast_in_dim3A_38 = arith.constant 2.000000e+00 : f32
      %broadcast_in_dim3A_39 = vector.broadcast %broadcast_in_dim3A_38 : f32 to vector<16xf32>
      %gt3A_40 = arith.cmpf ogt, %get3A_37, %select_n3A_31 : vector<16xf32>
      %gt3A_41 = arith.cmpf ogt, %get3A_37, %select_n3A_28 : vector<16xf32>
      %select_n3A_42 = arith.select %gt3A_41, %get3A_37, %select_n3A_28 : vector<16xi1>, vector<16xf32>
      %select_n3A_43 = arith.select %gt3A_40, %select_n3A_31, %select_n3A_42 : vector<16xi1>, vector<16xf32>
      %select_n3A_44 = arith.select %gt3A_41, %broadcast_in_dim3A_39, %select_n3A_30 : vector<16xi1>, vector<16xf32>
      %select_n3A_45 = arith.select %gt3A_40, %select_n3A_32, %select_n3A_44 : vector<16xi1>, vector<16xf32>
      %select_n3A_46 = arith.select %gt3A_40, %get3A_37, %select_n3A_31 : vector<16xi1>, vector<16xf32>
      %select_n3A_47 = arith.select %gt3A_40, %broadcast_in_dim3A_39, %select_n3A_32 : vector<16xi1>, vector<16xf32>
      %get3A_48 = arith.constant 3 : i32
      %get3A_49 = arith.index_cast %get3A_48 : i32 to index
      %get3A_50 = arith.index_cast %mul3A_10 : i32 to index
      %get3A_51 = tpu.vector_load %arg4[%get3A_49, %get3A_50] {strides = array<i32>} : memref<8x256xf32, #tpu.memory_space<vmem>>, vector<1x16xf32>,
      %get3A_52 = vector.shape_cast %get3A_51 : vector<1x16xf32> to vector<16xf32>
      %broadcast_in_dim3A_53 = arith.constant 3.000000e+00 : f32
      %broadcast_in_dim3A_54 = vector.broadcast %broadcast_in_dim3A_53 : f32 to vector<16xf32>
      %gt3A_55 = arith.cmpf ogt, %get3A_52, %select_n3A_46 : vector<16xf32>
      %gt3A_56 = arith.cmpf ogt, %get3A_52, %select_n3A_43 : vector<16xf32>
      %select_n3A_57 = arith.select %gt3A_56, %get3A_52, %select_n3A_43 : vector<16xi1>, vector<16xf32>
      %select_n3A_58 = arith.select %gt3A_55, %select_n3A_46, %select_n3A_57 : vector<16xi1>, vector<16xf32>
      %select_n3A_59 = arith.select %gt3A_56, %broadcast_in_dim3A_54, %select_n3A_45 : vector<16xi1>, vector<16xf32>
      %select_n3A_60 = arith.select %gt3A_55, %select_n3A_47, %select_n3A_59 : vector<16xi1>, vector<16xf32>
      %select_n3A_61 = arith.select %gt3A_55, %get3A_52, %select_n3A_46 : vector<16xi1>, vector<16xf32>
      %select_n3A_62 = arith.select %gt3A_55, %broadcast_in_dim3A_54, %select_n3A_47 : vector<16xi1>, vector<16xf32>
      %get3A_63 = arith.constant 4 : i32
      %get3A_64 = arith.index_cast %get3A_63 : i32 to index
      %get3A_65 = arith.index_cast %mul3A_10 : i32 to index
      %get3A_66 = tpu.vector_load %arg4[%get3A_64, %get3A_65] {strides = array<i32>} : memref<8x256xf32, #tpu.memory_space<vmem>>, vector<1x16xf32>,
      %get3A_67 = vector.shape_cast %get3A_66 : vector<1x16xf32> to vector<16xf32>
      %broadcast_in_dim3A_68 = arith.constant 4.000000e+00 : f32
      %broadcast_in_dim3A_69 = vector.broadcast %broadcast_in_dim3A_68 : f32 to vector<16xf32>
      %gt3A_70 = arith.cmpf ogt, %get3A_67, %select_n3A_61 : vector<16xf32>
      %gt3A_71 = arith.cmpf ogt, %get3A_67, %select_n3A_58 : vector<16xf32>
      %select_n3A_72 = arith.select %gt3A_71, %get3A_67, %select_n3A_58 : vector<16xi1>, vector<16xf32>
      %select_n3A_73 = arith.select %gt3A_70, %select_n3A_61, %select_n3A_72 : vector<16xi1>, vector<16xf32>
      %select_n3A_74 = arith.select %gt3A_71, %broadcast_in_dim3A_69, %select_n3A_60 : vector<16xi1>, vector<16xf32>
      %select_n3A_75 = arith.select %gt3A_70, %select_n3A_62, %select_n3A_74 : vector<16xi1>, vector<16xf32>
      %select_n3A_76 = arith.select %gt3A_70, %get3A_67, %select_n3A_61 : vector<16xi1>, vector<16xf32>
      %select_n3A_77 = arith.select %gt3A_70, %broadcast_in_dim3A_69, %select_n3A_62 : vector<16xi1>, vector<16xf32>
      %get3A_78 = arith.constant 5 : i32
      %get3A_79 = arith.index_cast %get3A_78 : i32 to index
      %get3A_80 = arith.index_cast %mul3A_10 : i32 to index
      %get3A_81 = tpu.vector_load %arg4[%get3A_79, %get3A_80] {strides = array<i32>} : memref<8x256xf32, #tpu.memory_space<vmem>>, vector<1x16xf32>,
      %get3A_82 = vector.shape_cast %get3A_81 : vector<1x16xf32> to vector<16xf32>
      %broadcast_in_dim3A_83 = arith.constant 5.000000e+00 : f32
      %broadcast_in_dim3A_84 = vector.broadcast %broadcast_in_dim3A_83 : f32 to vector<16xf32>
      %gt3A_85 = arith.cmpf ogt, %get3A_82, %select_n3A_76 : vector<16xf32>
      %gt3A_86 = arith.cmpf ogt, %get3A_82, %select_n3A_73 : vector<16xf32>
      %select_n3A_87 = arith.select %gt3A_86, %get3A_82, %select_n3A_73 : vector<16xi1>, vector<16xf32>
      %select_n3A_88 = arith.select %gt3A_85, %select_n3A_76, %select_n3A_87 : vector<16xi1>, vector<16xf32>
      %select_n3A_89 = arith.select %gt3A_86, %broadcast_in_dim3A_84, %select_n3A_75 : vector<16xi1>, vector<16xf32>
      %select_n3A_90 = arith.select %gt3A_85, %select_n3A_77, %select_n3A_89 : vector<16xi1>, vector<16xf32>
      %select_n3A_91 = arith.select %gt3A_85, %get3A_82, %select_n3A_76 : vector<16xi1>, vector<16xf32>
      %select_n3A_92 = arith.select %gt3A_85, %broadcast_in_dim3A_84, %select_n3A_77 : vector<16xi1>, vector<16xf32>
      %get3A_93 = arith.constant 6 : i32
      %get3A_94 = arith.index_cast %get3A_93 : i32 to index
      %get3A_95 = arith.index_cast %mul3A_10 : i32 to index
      %get3A_96 = tpu.vector_load %arg4[%get3A_94, %get3A_95] {strides = array<i32>} : memref<8x256xf32, #tpu.memory_space<vmem>>, vector<1x16xf32>,
      %get3A_97 = vector.shape_cast %get3A_96 : vector<1x16xf32> to vector<16xf32>
      %broadcast_in_dim3A_98 = arith.constant 6.000000e+00 : f32
      %broadcast_in_dim3A_99 = vector.broadcast %broadcast_in_dim3A_98 : f32 to vector<16xf32>
      %gt3A_100 = arith.cmpf ogt, %get3A_97, %select_n3A_91 : vector<16xf32>
      %gt3A_101 = arith.cmpf ogt, %get3A_97, %select_n3A_88 : vector<16xf32>
      %select_n3A_102 = arith.select %gt3A_101, %get3A_97, %select_n3A_88 : vector<16xi1>, vector<16xf32>
      %select_n3A_103 = arith.select %gt3A_100, %select_n3A_91, %select_n3A_102 : vector<16xi1>, vector<16xf32>
      %select_n3A_104 = arith.select %gt3A_101, %broadcast_in_dim3A_99, %select_n3A_90 : vector<16xi1>, vector<16xf32>
      %select_n3A_105 = arith.select %gt3A_100, %select_n3A_92, %select_n3A_104 : vector<16xi1>, vector<16xf32>
      %select_n3A_106 = arith.select %gt3A_100, %get3A_97, %select_n3A_91 : vector<16xi1>, vector<16xf32>
      %select_n3A_107 = arith.select %gt3A_100, %broadcast_in_dim3A_99, %select_n3A_92 : vector<16xi1>, vector<16xf32>
      %get3A_108 = arith.constant 7 : i32
      %get3A_109 = arith.index_cast %get3A_108 : i32 to index
      %get3A_110 = arith.index_cast %mul3A_10 : i32 to index
      %get3A_111 = tpu.vector_load %arg4[%get3A_109, %get3A_110] {strides = array<i32>} : memref<8x256xf32, #tpu.memory_space<vmem>>, vector<1x16xf32>,
      %get3A_112 = vector.shape_cast %get3A_111 : vector<1x16xf32> to vector<16xf32>
      %broadcast_in_dim3A_113 = arith.constant 7.000000e+00 : f32
      %broadcast_in_dim3A_114 = vector.broadcast %broadcast_in_dim3A_113 : f32 to vector<16xf32>
      %gt3A_115 = arith.cmpf ogt, %get3A_112, %select_n3A_106 : vector<16xf32>
      %gt3A_116 = arith.cmpf ogt, %get3A_112, %select_n3A_103 : vector<16xf32>
      %select_n3A_117 = arith.select %gt3A_116, %get3A_112, %select_n3A_103 : vector<16xi1>, vector<16xf32>
      %select_n3A_118 = arith.select %gt3A_115, %select_n3A_106, %select_n3A_117 : vector<16xi1>, vector<16xf32>
      %select_n3A_119 = arith.select %gt3A_116, %broadcast_in_dim3A_114, %select_n3A_105 : vector<16xi1>, vector<16xf32>
      %select_n3A_120 = arith.select %gt3A_115, %select_n3A_107, %select_n3A_119 : vector<16xi1>, vector<16xf32>
      %select_n3A_121 = arith.select %gt3A_115, %get3A_112, %select_n3A_106 : vector<16xi1>, vector<16xf32>
      %select_n3A_122 = arith.select %gt3A_115, %broadcast_in_dim3A_114, %select_n3A_107 : vector<16xi1>, vector<16xf32>
      %sub3A = arith.subf %select_n3A_118, %select_n3A_121 : vector<16xf32>
      %exp3A = math.exp %sub3A : vector<16xf32>
      %add3A_123 = arith.constant 1.000000e+00 : f32
      %add3A_124 = vector.broadcast %add3A_123 : f32 to vector<16xf32>
      %add3A_125 = arith.addf %add3A_124, %exp3A : vector<16xf32>
      %div3A = arith.divf %exp3A, %add3A_125 : vector<16xf32>
      %swap3A = arith.constant 0 : i32
      %swap3A_126 = arith.index_cast %swap3A : i32 to index
      %swap3A_127 = arith.index_cast %mul3A_10 : i32 to index
      %swap3A_128 = tpu.vector_load %arg5[%swap3A_126, %swap3A_127] {strides = array<i32>} : memref<4x256xf32, #tpu.memory_space<vmem>>, vector<1x16xf32>,
      %swap3A_129 = vector.shape_cast %swap3A_128 : vector<1x16xf32> to vector<16xf32>
      %swap3A_130 = vector.shape_cast %select_n3A_122 : vector<16xf32> to vector<1x16xf32>
      tpu.vector_store %arg5[%swap3A_126, %swap3A_127], %swap3A_130 {strides = array<i32>} : memref<4x256xf32, #tpu.memory_space<vmem>>, vector<1x16xf32>,
      %swap3A_131 = arith.constant 1 : i32
      %swap3A_132 = arith.index_cast %swap3A_131 : i32 to index
      %swap3A_133 = arith.index_cast %mul3A_10 : i32 to index
      %swap3A_134 = tpu.vector_load %arg5[%swap3A_132, %swap3A_133] {strides = array<i32>} : memref<4x256xf32, #tpu.memory_space<vmem>>, vector<1x16xf32>,
      %swap3A_135 = vector.shape_cast %swap3A_134 : vector<1x16xf32> to vector<16xf32>
      %swap3A_136 = vector.shape_cast %select_n3A_120 : vector<16xf32> to vector<1x16xf32>
      tpu.vector_store %arg5[%swap3A_132, %swap3A_133], %swap3A_136 {strides = array<i32>} : memref<4x256xf32, #tpu.memory_space<vmem>>, vector<1x16xf32>,
      %sub3A_137 = arith.constant 1.000000e+00 : f32
      %sub3A_138 = vector.broadcast %sub3A_137 : f32 to vector<16xf32>
      %sub3A_139 = arith.subf %sub3A_138, %div3A : vector<16xf32>
      %swap3A_140 = arith.constant 2 : i32
      %swap3A_141 = arith.index_cast %swap3A_140 : i32 to index
      %swap3A_142 = arith.index_cast %mul3A_10 : i32 to index
      %swap3A_143 = tpu.vector_load %arg5[%swap3A_141, %swap3A_142] {strides = array<i32>} : memref<4x256xf32, #tpu.memory_space<vmem>>, vector<1x16xf32>,
      %swap3A_144 = vector.shape_cast %swap3A_143 : vector<1x16xf32> to vector<16xf32>
      %swap3A_145 = vector.shape_cast %sub3A_139 : vector<16xf32> to vector<1x16xf32>
      tpu.vector_store %arg5[%swap3A_141, %swap3A_142], %swap3A_145 {strides = array<i32>} : memref<4x256xf32, #tpu.memory_space<vmem>>, vector<1x16xf32>,
      %swap3A_146 = arith.constant 3 : i32
      %swap3A_147 = arith.index_cast %swap3A_146 : i32 to index
      %swap3A_148 = arith.index_cast %mul3A_10 : i32 to index
      %swap3A_149 = tpu.vector_load %arg5[%swap3A_147, %swap3A_148] {strides = array<i32>} : memref<4x256xf32, #tpu.memory_space<vmem>>, vector<1x16xf32>,
      %swap3A_150 = vector.shape_cast %swap3A_149 : vector<1x16xf32> to vector<16xf32>
      %swap3A_151 = vector.shape_cast %div3A : vector<16xf32> to vector<1x16xf32>
      tpu.vector_store %arg5[%swap3A_147, %swap3A_148], %swap3A_151 {strides = array<i32>} : memref<4x256xf32, #tpu.memory_space<vmem>>, vector<1x16xf32>,
    }
    %scan3A_7 = arith.constant 16 : i32
    "tpu.region"() ({
      %run_scoped3A = tpu.sem_alloc : memref<!tpu.dma_semaphore, #tpu.memory_space<semaphore_mem>>
      %dma_start3A = arith.constant 0 : i32
      %dma_start3A_8 = tpu.memref_slice %arg3[%dma_start3A, %mul3A_2] : memref<4x8192xf32, #tpu.memory_space<hbm>> -> memref<4x256xf32, #tpu.memory_space<hbm>>
      %dma_start3A_9 = arith.constant 0 : i32
      %dma_start3A_10 = tpu.memref_slice %arg3[%dma_start3A_9, %mul3A_2] : memref<4x8192xf32, #tpu.memory_space<hbm>> -> memref<4x256xf32, #tpu.memory_space<hbm>>
      tpu.enqueue_dma source(%arg5 : memref<4x256xf32, #tpu.memory_space<vmem>>) target(%dma_start3A_10 : memref<4x256xf32, #tpu.memory_space<hbm>>) target_semaphore(%run_scoped3A : memref<!tpu.dma_semaphore, #tpu.memory_space<semaphore_mem>>)
      %dma_wait3A = arith.constant 0 : i32
      %dma_wait3A_11 = tpu.memref_slice %arg3[%dma_wait3A, %mul3A_2] : memref<4x8192xf32, #tpu.memory_space<hbm>> -> memref<4x256xf32, #tpu.memory_space<hbm>>
      %dma_wait3A_12 = arith.constant 0 : i32
      %dma_wait3A_13 = tpu.memref_slice %arg3[%dma_wait3A_12, %mul3A_2] : memref<4x8192xf32, #tpu.memory_space<hbm>> -> memref<4x256xf32, #tpu.memory_space<hbm>>
      tpu.wait_dma2 semaphore(%run_scoped3A : memref<!tpu.dma_semaphore, #tpu.memory_space<semaphore_mem>>) src(%arg5 : memref<4x256xf32, #tpu.memory_space<vmem>>) dst(%dma_wait3A_13 : memref<4x256xf32, #tpu.memory_space<hbm>>)
      tpu.yield
    }) : () -> ()
    return
  }
}

#map = affine_map<(d0, d1) -> (0, 0)>
module attributes {stable_mosaic.version = 14 : i64} {
  func.func @sc_topk(%arg0: i32, %arg1: i32, %arg2: memref<8x8192xf32, #tpu.memory_space<hbm>>, %arg3: memref<4x8192xf32, #tpu.memory_space<hbm>>, %arg4: memref<8x256xf32, #tpu.memory_space<vmem>>, %arg5: memref<4x256xf32, #tpu.memory_space<vmem>>) attributes {dimension_semantics = [#tpu.dimension_semantics<core_parallel>, #tpu.dimension_semantics<subcore_parallel>], iteration_bounds = array<i64: 2, 16>, scalar_prefetch = 0 : i64, scratch_operands = 2 : i64, tpu.core_type = #tpu.core_type<sc_vector_subcore>, window_params = [{transform_indices = #map}, {transform_indices = #map}]} {
    %mul3A = arith.constant 2 : i32
    %mul3A_0 = arith.muli %arg1, %mul3A : i32
    %add3A = arith.addi %mul3A_0, %arg0 : i32
    %mul3A_1 = arith.constant 256 : i32
    %mul3A_2 = arith.muli %add3A, %mul3A_1 : i32
    "tpu.region"() ({
      %run_scoped3A = tpu.sem_alloc : memref<!tpu.dma_semaphore, #tpu.memory_space<semaphore_mem>>
      %dma_start3A = arith.constant 0 : i32
      %dma_start3A_8 = tpu.memref_slice %arg2[%dma_start3A, %mul3A_2] : memref<8x8192xf32, #tpu.memory_space<hbm>> -> memref<8x256xf32, #tpu.memory_space<hbm>>
      %dma_start3A_9 = arith.constant 0 : i32
      %dma_start3A_10 = tpu.memref_slice %arg2[%dma_start3A_9, %mul3A_2] : memref<8x8192xf32, #tpu.memory_space<hbm>> -> memref<8x256xf32, #tpu.memory_space<hbm>>
      tpu.enqueue_dma source(%dma_start3A_10 : memref<8x256xf32, #tpu.memory_space<hbm>>) target(%arg4 : memref<8x256xf32, #tpu.memory_space<vmem>>) target_semaphore(%run_scoped3A : memref<!tpu.dma_semaphore, #tpu.memory_space<semaphore_mem>>)
      %dma_wait3A = arith.constant 0 : i32
      %dma_wait3A_11 = tpu.memref_slice %arg2[%dma_wait3A, %mul3A_2] : memref<8x8192xf32, #tpu.memory_space<hbm>> -> memref<8x256xf32, #tpu.memory_space<hbm>>
      %dma_wait3A_12 = arith.constant 0 : i32
      %dma_wait3A_13 = tpu.memref_slice %arg2[%dma_wait3A_12, %mul3A_2] : memref<8x8192xf32, #tpu.memory_space<hbm>> -> memref<8x256xf32, #tpu.memory_space<hbm>>
      tpu.wait_dma2 semaphore(%run_scoped3A : memref<!tpu.dma_semaphore, #tpu.memory_space<semaphore_mem>>) src(%dma_wait3A_13 : memref<8x256xf32, #tpu.memory_space<hbm>>) dst(%arg4 : memref<8x256xf32, #tpu.memory_space<vmem>>)
      tpu.yield
    }) : () -> ()
    %scan3A = arith.constant 0 : i32
    %scan3A_3 = arith.constant 0 : i32
    %scan3A_4 = arith.constant 16 : i32
    %scan3A_5 = arith.addi %scan3A_3, %scan3A_4 : i32
    %scan3A_6 = arith.constant 1 : i32
    scf.for %scan3A_8 = %scan3A_3 to %scan3A_5 step %scan3A_6  : i32 {
      %mul3A_9 = arith.constant 16 : i32
      %mul3A_10 = arith.muli %scan3A_8, %mul3A_9 : i32
      %get3A = arith.constant 0 : i32
      %get3A_11 = arith.index_cast %get3A : i32 to index
      %get3A_12 = arith.index_cast %mul3A_10 : i32 to index
      %get3A_13 = tpu.vector_load %arg4[%get3A_11, %get3A_12] {strides = array<i32>} : memref<8x256xf32, #tpu.memory_space<vmem>>, vector<1x16xf32>,
      %get3A_14 = vector.shape_cast %get3A_13 : vector<1x16xf32> to vector<16xf32>
      %broadcast_in_dim3A = arith.constant 0.000000e+00 : f32
      %broadcast_in_dim3A_15 = vector.broadcast %broadcast_in_dim3A : f32 to vector<16xf32>
      %broadcast_in_dim3A_16 = arith.constant 0xFF800000 : f32
      %broadcast_in_dim3A_17 = vector.broadcast %broadcast_in_dim3A_16 : f32 to vector<16xf32>
      %broadcast_in_dim3A_18 = arith.constant 0.000000e+00 : f32
      %broadcast_in_dim3A_19 = vector.broadcast %broadcast_in_dim3A_18 : f32 to vector<16xf32>
      %get3A_20 = arith.constant 1 : i32
      %get3A_21 = arith.index_cast %get3A_20 : i32 to index
      %get3A_22 = arith.index_cast %mul3A_10 : i32 to index
      %get3A_23 = tpu.vector_load %arg4[%get3A_21, %get3A_22] {strides = array<i32>} : memref<8x256xf32, #tpu.memory_space<vmem>>, vector<1x16xf32>,
      %get3A_24 = vector.shape_cast %get3A_23 : vector<1x16xf32> to vector<16xf32>
      %broadcast_in_dim3A_25 = arith.constant 1.000000e+00 : f32
      %broadcast_in_dim3A_26 = vector.broadcast %broadcast_in_dim3A_25 : f32 to vector<16xf32>
      %gt3A = arith.cmpf ogt, %get3A_24, %get3A_14 : vector<16xf32>
      %gt3A_27 = arith.cmpf ogt, %get3A_24, %broadcast_in_dim3A_17 : vector<16xf32>
      %select_n3A = arith.select %gt3A_27, %get3A_24, %broadcast_in_dim3A_17 : vector<16xi1>, vector<16xf32>
      %select_n3A_28 = arith.select %gt3A, %get3A_14, %select_n3A : vector<16xi1>, vector<16xf32>
      %select_n3A_29 = arith.select %gt3A_27, %broadcast_in_dim3A_26, %broadcast_in_dim3A_19 : vector<16xi1>, vector<16xf32>
      %select_n3A_30 = arith.select %gt3A, %broadcast_in_dim3A_15, %select_n3A_29 : vector<16xi1>, vector<16xf32>
      %select_n3A_31 = arith.select %gt3A, %get3A_24, %get3A_14 : vector<16xi1>, vector<16xf32>
      %select_n3A_32 = arith.select %gt3A, %broadcast_in_dim3A_26, %broadcast_in_dim3A_15 : vector<16xi1>, vector<16xf32>
      %get3A_33 = arith.constant 2 : i32
      %get3A_34 = arith.index_cast %get3A_33 : i32 to index
      %get3A_35 = arith.index_cast %mul3A_10 : i32 to index
      %get3A_36 = tpu.vector_load %arg4[%get3A_34, %get3A_35] {strides = array<i32>} : memref<8x256xf32, #tpu.memory_space<vmem>>, vector<1x16xf32>,
      %get3A_37 = vector.shape_cast %get3A_36 : vector<1x16xf32> to vector<16xf32>
      %broadcast_in_dim3A_38 = arith.constant 2.000000e+00 : f32
      %broadcast_in_dim3A_39 = vector.broadcast %broadcast_in_dim3A_38 : f32 to vector<16xf32>
      %gt3A_40 = arith.cmpf ogt, %get3A_37, %select_n3A_31 : vector<16xf32>
      %gt3A_41 = arith.cmpf ogt, %get3A_37, %select_n3A_28 : vector<16xf32>
      %select_n3A_42 = arith.select %gt3A_41, %get3A_37, %select_n3A_28 : vector<16xi1>, vector<16xf32>
      %select_n3A_43 = arith.select %gt3A_40, %select_n3A_31, %select_n3A_42 : vector<16xi1>, vector<16xf32>
      %select_n3A_44 = arith.select %gt3A_41, %broadcast_in_dim3A_39, %select_n3A_30 : vector<16xi1>, vector<16xf32>
      %select_n3A_45 = arith.select %gt3A_40, %select_n3A_32, %select_n3A_44 : vector<16xi1>, vector<16xf32>
      %select_n3A_46 = arith.select %gt3A_40, %get3A_37, %select_n3A_31 : vector<16xi1>, vector<16xf32>
      %select_n3A_47 = arith.select %gt3A_40, %broadcast_in_dim3A_39, %select_n3A_32 : vector<16xi1>, vector<16xf32>
      %get3A_48 = arith.constant 3 : i32
      %get3A_49 = arith.index_cast %get3A_48 : i32 to index
      %get3A_50 = arith.index_cast %mul3A_10 : i32 to index
      %get3A_51 = tpu.vector_load %arg4[%get3A_49, %get3A_50] {strides = array<i32>} : memref<8x256xf32, #tpu.memory_space<vmem>>, vector<1x16xf32>,
      %get3A_52 = vector.shape_cast %get3A_51 : vector<1x16xf32> to vector<16xf32>
      %broadcast_in_dim3A_53 = arith.constant 3.000000e+00 : f32
      %broadcast_in_dim3A_54 = vector.broadcast %broadcast_in_dim3A_53 : f32 to vector<16xf32>
      %gt3A_55 = arith.cmpf ogt, %get3A_52, %select_n3A_46 : vector<16xf32>
      %gt3A_56 = arith.cmpf ogt, %get3A_52, %select_n3A_43 : vector<16xf32>
      %select_n3A_57 = arith.select %gt3A_56, %get3A_52, %select_n3A_43 : vector<16xi1>, vector<16xf32>
      %select_n3A_58 = arith.select %gt3A_55, %select_n3A_46, %select_n3A_57 : vector<16xi1>, vector<16xf32>
      %select_n3A_59 = arith.select %gt3A_56, %broadcast_in_dim3A_54, %select_n3A_45 : vector<16xi1>, vector<16xf32>
      %select_n3A_60 = arith.select %gt3A_55, %select_n3A_47, %select_n3A_59 : vector<16xi1>, vector<16xf32>
      %select_n3A_61 = arith.select %gt3A_55, %get3A_52, %select_n3A_46 : vector<16xi1>, vector<16xf32>
      %select_n3A_62 = arith.select %gt3A_55, %broadcast_in_dim3A_54, %select_n3A_47 : vector<16xi1>, vector<16xf32>
      %get3A_63 = arith.constant 4 : i32
      %get3A_64 = arith.index_cast %get3A_63 : i32 to index
      %get3A_65 = arith.index_cast %mul3A_10 : i32 to index
      %get3A_66 = tpu.vector_load %arg4[%get3A_64, %get3A_65] {strides = array<i32>} : memref<8x256xf32, #tpu.memory_space<vmem>>, vector<1x16xf32>,
      %get3A_67 = vector.shape_cast %get3A_66 : vector<1x16xf32> to vector<16xf32>
      %broadcast_in_dim3A_68 = arith.constant 4.000000e+00 : f32
      %broadcast_in_dim3A_69 = vector.broadcast %broadcast_in_dim3A_68 : f32 to vector<16xf32>
      %gt3A_70 = arith.cmpf ogt, %get3A_67, %select_n3A_61 : vector<16xf32>
      %gt3A_71 = arith.cmpf ogt, %get3A_67, %select_n3A_58 : vector<16xf32>
      %select_n3A_72 = arith.select %gt3A_71, %get3A_67, %select_n3A_58 : vector<16xi1>, vector<16xf32>
      %select_n3A_73 = arith.select %gt3A_70, %select_n3A_61, %select_n3A_72 : vector<16xi1>, vector<16xf32>
      %select_n3A_74 = arith.select %gt3A_71, %broadcast_in_dim3A_69, %select_n3A_60 : vector<16xi1>, vector<16xf32>
      %select_n3A_75 = arith.select %gt3A_70, %select_n3A_62, %select_n3A_74 : vector<16xi1>, vector<16xf32>
      %select_n3A_76 = arith.select %gt3A_70, %get3A_67, %select_n3A_61 : vector<16xi1>, vector<16xf32>
      %select_n3A_77 = arith.select %gt3A_70, %broadcast_in_dim3A_69, %select_n3A_62 : vector<16xi1>, vector<16xf32>
      %get3A_78 = arith.constant 5 : i32
      %get3A_79 = arith.index_cast %get3A_78 : i32 to index
      %get3A_80 = arith.index_cast %mul3A_10 : i32 to index
      %get3A_81 = tpu.vector_load %arg4[%get3A_79, %get3A_80] {strides = array<i32>} : memref<8x256xf32, #tpu.memory_space<vmem>>, vector<1x16xf32>,
      %get3A_82 = vector.shape_cast %get3A_81 : vector<1x16xf32> to vector<16xf32>
      %broadcast_in_dim3A_83 = arith.constant 5.000000e+00 : f32
      %broadcast_in_dim3A_84 = vector.broadcast %broadcast_in_dim3A_83 : f32 to vector<16xf32>
      %gt3A_85 = arith.cmpf ogt, %get3A_82, %select_n3A_76 : vector<16xf32>
      %gt3A_86 = arith.cmpf ogt, %get3A_82, %select_n3A_73 : vector<16xf32>
      %select_n3A_87 = arith.select %gt3A_86, %get3A_82, %select_n3A_73 : vector<16xi1>, vector<16xf32>
      %select_n3A_88 = arith.select %gt3A_85, %select_n3A_76, %select_n3A_87 : vector<16xi1>, vector<16xf32>
      %select_n3A_89 = arith.select %gt3A_86, %broadcast_in_dim3A_84, %select_n3A_75 : vector<16xi1>, vector<16xf32>
      %select_n3A_90 = arith.select %gt3A_85, %select_n3A_77, %select_n3A_89 : vector<16xi1>, vector<16xf32>
      %select_n3A_91 = arith.select %gt3A_85, %get3A_82, %select_n3A_76 : vector<16xi1>, vector<16xf32>
      %select_n3A_92 = arith.select %gt3A_85, %broadcast_in_dim3A_84, %select_n3A_77 : vector<16xi1>, vector<16xf32>
      %get3A_93 = arith.constant 6 : i32
      %get3A_94 = arith.index_cast %get3A_93 : i32 to index
      %get3A_95 = arith.index_cast %mul3A_10 : i32 to index
      %get3A_96 = tpu.vector_load %arg4[%get3A_94, %get3A_95] {strides = array<i32>} : memref<8x256xf32, #tpu.memory_space<vmem>>, vector<1x16xf32>,
      %get3A_97 = vector.shape_cast %get3A_96 : vector<1x16xf32> to vector<16xf32>
      %broadcast_in_dim3A_98 = arith.constant 6.000000e+00 : f32
      %broadcast_in_dim3A_99 = vector.broadcast %broadcast_in_dim3A_98 : f32 to vector<16xf32>
      %gt3A_100 = arith.cmpf ogt, %get3A_97, %select_n3A_91 : vector<16xf32>
      %gt3A_101 = arith.cmpf ogt, %get3A_97, %select_n3A_88 : vector<16xf32>
      %select_n3A_102 = arith.select %gt3A_101, %get3A_97, %select_n3A_88 : vector<16xi1>, vector<16xf32>
      %select_n3A_103 = arith.select %gt3A_100, %select_n3A_91, %select_n3A_102 : vector<16xi1>, vector<16xf32>
      %select_n3A_104 = arith.select %gt3A_101, %broadcast_in_dim3A_99, %select_n3A_90 : vector<16xi1>, vector<16xf32>
      %select_n3A_105 = arith.select %gt3A_100, %select_n3A_92, %select_n3A_104 : vector<16xi1>, vector<16xf32>
      %select_n3A_106 = arith.select %gt3A_100, %get3A_97, %select_n3A_91 : vector<16xi1>, vector<16xf32>
      %select_n3A_107 = arith.select %gt3A_100, %broadcast_in_dim3A_99, %select_n3A_92 : vector<16xi1>, vector<16xf32>
      %get3A_108 = arith.constant 7 : i32
      %get3A_109 = arith.index_cast %get3A_108 : i32 to index
      %get3A_110 = arith.index_cast %mul3A_10 : i32 to index
      %get3A_111 = tpu.vector_load %arg4[%get3A_109, %get3A_110] {strides = array<i32>} : memref<8x256xf32, #tpu.memory_space<vmem>>, vector<1x16xf32>,
      %get3A_112 = vector.shape_cast %get3A_111 : vector<1x16xf32> to vector<16xf32>
      %broadcast_in_dim3A_113 = arith.constant 7.000000e+00 : f32
      %broadcast_in_dim3A_114 = vector.broadcast %broadcast_in_dim3A_113 : f32 to vector<16xf32>
      %gt3A_115 = arith.cmpf ogt, %get3A_112, %select_n3A_106 : vector<16xf32>
      %gt3A_116 = arith.cmpf ogt, %get3A_112, %select_n3A_103 : vector<16xf32>
      %select_n3A_117 = arith.select %gt3A_116, %get3A_112, %select_n3A_103 : vector<16xi1>, vector<16xf32>
      %select_n3A_118 = arith.select %gt3A_115, %select_n3A_106, %select_n3A_117 : vector<16xi1>, vector<16xf32>
      %select_n3A_119 = arith.select %gt3A_116, %broadcast_in_dim3A_114, %select_n3A_105 : vector<16xi1>, vector<16xf32>
      %select_n3A_120 = arith.select %gt3A_115, %select_n3A_107, %select_n3A_119 : vector<16xi1>, vector<16xf32>
      %select_n3A_121 = arith.select %gt3A_115, %get3A_112, %select_n3A_106 : vector<16xi1>, vector<16xf32>
      %select_n3A_122 = arith.select %gt3A_115, %broadcast_in_dim3A_114, %select_n3A_107 : vector<16xi1>, vector<16xf32>
      %sub3A = arith.subf %select_n3A_118, %select_n3A_121 : vector<16xf32>
      %exp3A = math.exp %sub3A : vector<16xf32>
      %add3A_123 = arith.constant 1.000000e+00 : f32
      %add3A_124 = vector.broadcast %add3A_123 : f32 to vector<16xf32>
      %add3A_125 = arith.addf %add3A_124, %exp3A : vector<16xf32>
      %div3A = arith.divf %exp3A, %add3A_125 : vector<16xf32>
      %swap3A = arith.constant 0 : i32
      %swap3A_126 = arith.index_cast %swap3A : i32 to index
      %swap3A_127 = arith.index_cast %mul3A_10 : i32 to index
      %swap3A_128 = tpu.vector_load %arg5[%swap3A_126, %swap3A_127] {strides = array<i32>} : memref<4x256xf32, #tpu.memory_space<vmem>>, vector<1x16xf32>,
      %swap3A_129 = vector.shape_cast %swap3A_128 : vector<1x16xf32> to vector<16xf32>
      %swap3A_130 = vector.shape_cast %select_n3A_122 : vector<16xf32> to vector<1x16xf32>
      tpu.vector_store %arg5[%swap3A_126, %swap3A_127], %swap3A_130 {strides = array<i32>} : memref<4x256xf32, #tpu.memory_space<vmem>>, vector<1x16xf32>,
      %swap3A_131 = arith.constant 1 : i32
      %swap3A_132 = arith.index_cast %swap3A_131 : i32 to index
      %swap3A_133 = arith.index_cast %mul3A_10 : i32 to index
      %swap3A_134 = tpu.vector_load %arg5[%swap3A_132, %swap3A_133] {strides = array<i32>} : memref<4x256xf32, #tpu.memory_space<vmem>>, vector<1x16xf32>,
      %swap3A_135 = vector.shape_cast %swap3A_134 : vector<1x16xf32> to vector<16xf32>
      %swap3A_136 = vector.shape_cast %select_n3A_120 : vector<16xf32> to vector<1x16xf32>
      tpu.vector_store %arg5[%swap3A_132, %swap3A_133], %swap3A_136 {strides = array<i32>} : memref<4x256xf32, #tpu.memory_space<vmem>>, vector<1x16xf32>,
      %sub3A_137 = arith.constant 1.000000e+00 : f32
      %sub3A_138 = vector.broadcast %sub3A_137 : f32 to vector<16xf32>
      %sub3A_139 = arith.subf %sub3A_138, %div3A : vector<16xf32>
      %swap3A_140 = arith.constant 2 : i32
      %swap3A_141 = arith.index_cast %swap3A_140 : i32 to index
      %swap3A_142 = arith.index_cast %mul3A_10 : i32 to index
      %swap3A_143 = tpu.vector_load %arg5[%swap3A_141, %swap3A_142] {strides = array<i32>} : memref<4x256xf32, #tpu.memory_space<vmem>>, vector<1x16xf32>,
      %swap3A_144 = vector.shape_cast %swap3A_143 : vector<1x16xf32> to vector<16xf32>
      %swap3A_145 = vector.shape_cast %sub3A_139 : vector<16xf32> to vector<1x16xf32>
      tpu.vector_store %arg5[%swap3A_141, %swap3A_142], %swap3A_145 {strides = array<i32>} : memref<4x256xf32, #tpu.memory_space<vmem>>, vector<1x16xf32>,
      %swap3A_146 = arith.constant 3 : i32
      %swap3A_147 = arith.index_cast %swap3A_146 : i32 to index
      %swap3A_148 = arith.index_cast %mul3A_10 : i32 to index
      %swap3A_149 = tpu.vector_load %arg5[%swap3A_147, %swap3A_148] {strides = array<i32>} : memref<4x256xf32, #tpu.memory_space<vmem>>, vector<1x16xf32>,
      %swap3A_150 = vector.shape_cast %swap3A_149 : vector<1x16xf32> to vector<16xf32>
      %swap3A_151 = vector.shape_cast %div3A : vector<16xf32> to vector<1x16xf32>
      tpu.vector_store %arg5[%swap3A_147, %swap3A_148], %swap3A_151 {strides = array<i32>} : memref<4x256xf32, #tpu.memory_space<vmem>>, vector<1x16xf32>,
    }
    %scan3A_7 = arith.constant 16 : i32
    "tpu.region"() ({
      %run_scoped3A = tpu.sem_alloc : memref<!tpu.dma_semaphore, #tpu.memory_space<semaphore_mem>>
      %dma_start3A = arith.constant 0 : i32
      %dma_start3A_8 = tpu.memref_slice %arg3[%dma_start3A, %mul3A_2] : memref<4x8192xf32, #tpu.memory_space<hbm>> -> memref<4x256xf32, #tpu.memory_space<hbm>>
      %dma_start3A_9 = arith.constant 0 : i32
      %dma_start3A_10 = tpu.memref_slice %arg3[%dma_start3A_9, %mul3A_2] : memref<4x8192xf32, #tpu.memory_space<hbm>> -> memref<4x256xf32, #tpu.memory_space<hbm>>
      tpu.enqueue_dma source(%arg5 : memref<4x256xf32, #tpu.memory_space<vmem>>) target(%dma_start3A_10 : memref<4x256xf32, #tpu.memory_space<hbm>>) target_semaphore(%run_scoped3A : memref<!tpu.dma_semaphore, #tpu.memory_space<semaphore_mem>>)
      %dma_wait3A = arith.constant 0 : i32
      %dma_wait3A_11 = tpu.memref_slice %arg3[%dma_wait3A, %mul3A_2] : memref<4x8192xf32, #tpu.memory_space<hbm>> -> memref<4x256xf32, #tpu.memory_space<hbm>>
      %dma_wait3A_12 = arith.constant 0 : i32
      %dma_wait3A_13 = tpu.memref_slice %arg3[%dma_wait3A_12, %mul3A_2] : memref<4x8192xf32, #tpu.memory_space<hbm>> -> memref<4x256xf32, #tpu.memory_space<hbm>>
      tpu.wait_dma2 semaphore(%run_scoped3A : memref<!tpu.dma_semaphore, #tpu.memory_space<semaphore_mem>>) src(%arg5 : memref<4x256xf32, #tpu.memory_space<vmem>>) dst(%dma_wait3A_13 : memref<4x256xf32, #tpu.memory_space<hbm>>)
      tpu.yield
    }) : () -> ()
    return
  }
}

#map = affine_map<(d0, d1) -> (0, 0)>
module attributes {stable_mosaic.version = 14 : i64} {
  func.func @sc_topk(%arg0: i32, %arg1: i32, %arg2: memref<8x8192xf32, #tpu.memory_space<hbm>>, %arg3: memref<4x8192xf32, #tpu.memory_space<hbm>>, %arg4: memref<8x256xf32, #tpu.memory_space<vmem>>, %arg5: memref<4x256xf32, #tpu.memory_space<vmem>>) attributes {dimension_semantics = [#tpu.dimension_semantics<core_parallel>, #tpu.dimension_semantics<subcore_parallel>], iteration_bounds = array<i64: 2, 16>, scalar_prefetch = 0 : i64, scratch_operands = 2 : i64, tpu.core_type = #tpu.core_type<sc_vector_subcore>, window_params = [{transform_indices = #map}, {transform_indices = #map}]} {
    %mul3A = arith.constant 2 : i32
    %mul3A_0 = arith.muli %arg1, %mul3A : i32
    %add3A = arith.addi %mul3A_0, %arg0 : i32
    %mul3A_1 = arith.constant 256 : i32
    %mul3A_2 = arith.muli %add3A, %mul3A_1 : i32
    "tpu.region"() ({
      %run_scoped3A = tpu.sem_alloc : memref<!tpu.dma_semaphore, #tpu.memory_space<semaphore_mem>>
      %dma_start3A = arith.constant 0 : i32
      %dma_start3A_8 = tpu.memref_slice %arg2[%dma_start3A, %mul3A_2] : memref<8x8192xf32, #tpu.memory_space<hbm>> -> memref<8x256xf32, #tpu.memory_space<hbm>>
      %dma_start3A_9 = arith.constant 0 : i32
      %dma_start3A_10 = tpu.memref_slice %arg2[%dma_start3A_9, %mul3A_2] : memref<8x8192xf32, #tpu.memory_space<hbm>> -> memref<8x256xf32, #tpu.memory_space<hbm>>
      tpu.enqueue_dma source(%dma_start3A_10 : memref<8x256xf32, #tpu.memory_space<hbm>>) target(%arg4 : memref<8x256xf32, #tpu.memory_space<vmem>>) target_semaphore(%run_scoped3A : memref<!tpu.dma_semaphore, #tpu.memory_space<semaphore_mem>>)
      %dma_wait3A = arith.constant 0 : i32
      %dma_wait3A_11 = tpu.memref_slice %arg2[%dma_wait3A, %mul3A_2] : memref<8x8192xf32, #tpu.memory_space<hbm>> -> memref<8x256xf32, #tpu.memory_space<hbm>>
      %dma_wait3A_12 = arith.constant 0 : i32
      %dma_wait3A_13 = tpu.memref_slice %arg2[%dma_wait3A_12, %mul3A_2] : memref<8x8192xf32, #tpu.memory_space<hbm>> -> memref<8x256xf32, #tpu.memory_space<hbm>>
      tpu.wait_dma2 semaphore(%run_scoped3A : memref<!tpu.dma_semaphore, #tpu.memory_space<semaphore_mem>>) src(%dma_wait3A_13 : memref<8x256xf32, #tpu.memory_space<hbm>>) dst(%arg4 : memref<8x256xf32, #tpu.memory_space<vmem>>)
      tpu.yield
    }) : () -> ()
    %scan3A = arith.constant 0 : i32
    %scan3A_3 = arith.constant 0 : i32
    %scan3A_4 = arith.constant 16 : i32
    %scan3A_5 = arith.addi %scan3A_3, %scan3A_4 : i32
    %scan3A_6 = arith.constant 1 : i32
    scf.for %scan3A_8 = %scan3A_3 to %scan3A_5 step %scan3A_6  : i32 {
      %mul3A_9 = arith.constant 16 : i32
      %mul3A_10 = arith.muli %scan3A_8, %mul3A_9 : i32
      %get3A = arith.constant 0 : i32
      %get3A_11 = arith.index_cast %get3A : i32 to index
      %get3A_12 = arith.index_cast %mul3A_10 : i32 to index
      %get3A_13 = tpu.vector_load %arg4[%get3A_11, %get3A_12] {strides = array<i32>} : memref<8x256xf32, #tpu.memory_space<vmem>>, vector<1x16xf32>,
      %get3A_14 = vector.shape_cast %get3A_13 : vector<1x16xf32> to vector<16xf32>
      %broadcast_in_dim3A = arith.constant 0.000000e+00 : f32
      %broadcast_in_dim3A_15 = vector.broadcast %broadcast_in_dim3A : f32 to vector<16xf32>
      %broadcast_in_dim3A_16 = arith.constant 0xFF800000 : f32
      %broadcast_in_dim3A_17 = vector.broadcast %broadcast_in_dim3A_16 : f32 to vector<16xf32>
      %broadcast_in_dim3A_18 = arith.constant 0.000000e+00 : f32
      %broadcast_in_dim3A_19 = vector.broadcast %broadcast_in_dim3A_18 : f32 to vector<16xf32>
      %get3A_20 = arith.constant 1 : i32
      %get3A_21 = arith.index_cast %get3A_20 : i32 to index
      %get3A_22 = arith.index_cast %mul3A_10 : i32 to index
      %get3A_23 = tpu.vector_load %arg4[%get3A_21, %get3A_22] {strides = array<i32>} : memref<8x256xf32, #tpu.memory_space<vmem>>, vector<1x16xf32>,
      %get3A_24 = vector.shape_cast %get3A_23 : vector<1x16xf32> to vector<16xf32>
      %broadcast_in_dim3A_25 = arith.constant 1.000000e+00 : f32
      %broadcast_in_dim3A_26 = vector.broadcast %broadcast_in_dim3A_25 : f32 to vector<16xf32>
      %gt3A = arith.cmpf ogt, %get3A_24, %get3A_14 : vector<16xf32>
      %gt3A_27 = arith.cmpf ogt, %get3A_24, %broadcast_in_dim3A_17 : vector<16xf32>
      %select_n3A = arith.select %gt3A_27, %get3A_24, %broadcast_in_dim3A_17 : vector<16xi1>, vector<16xf32>
      %select_n3A_28 = arith.select %gt3A, %get3A_14, %select_n3A : vector<16xi1>, vector<16xf32>
      %select_n3A_29 = arith.select %gt3A_27, %broadcast_in_dim3A_26, %broadcast_in_dim3A_19 : vector<16xi1>, vector<16xf32>
      %select_n3A_30 = arith.select %gt3A, %broadcast_in_dim3A_15, %select_n3A_29 : vector<16xi1>, vector<16xf32>
      %select_n3A_31 = arith.select %gt3A, %get3A_24, %get3A_14 : vector<16xi1>, vector<16xf32>
      %select_n3A_32 = arith.select %gt3A, %broadcast_in_dim3A_26, %broadcast_in_dim3A_15 : vector<16xi1>, vector<16xf32>
      %get3A_33 = arith.constant 2 : i32
      %get3A_34 = arith.index_cast %get3A_33 : i32 to index
      %get3A_35 = arith.index_cast %mul3A_10 : i32 to index
      %get3A_36 = tpu.vector_load %arg4[%get3A_34, %get3A_35] {strides = array<i32>} : memref<8x256xf32, #tpu.memory_space<vmem>>, vector<1x16xf32>,
      %get3A_37 = vector.shape_cast %get3A_36 : vector<1x16xf32> to vector<16xf32>
      %broadcast_in_dim3A_38 = arith.constant 2.000000e+00 : f32
      %broadcast_in_dim3A_39 = vector.broadcast %broadcast_in_dim3A_38 : f32 to vector<16xf32>
      %gt3A_40 = arith.cmpf ogt, %get3A_37, %select_n3A_31 : vector<16xf32>
      %gt3A_41 = arith.cmpf ogt, %get3A_37, %select_n3A_28 : vector<16xf32>
      %select_n3A_42 = arith.select %gt3A_41, %get3A_37, %select_n3A_28 : vector<16xi1>, vector<16xf32>
      %select_n3A_43 = arith.select %gt3A_40, %select_n3A_31, %select_n3A_42 : vector<16xi1>, vector<16xf32>
      %select_n3A_44 = arith.select %gt3A_41, %broadcast_in_dim3A_39, %select_n3A_30 : vector<16xi1>, vector<16xf32>
      %select_n3A_45 = arith.select %gt3A_40, %select_n3A_32, %select_n3A_44 : vector<16xi1>, vector<16xf32>
      %select_n3A_46 = arith.select %gt3A_40, %get3A_37, %select_n3A_31 : vector<16xi1>, vector<16xf32>
      %select_n3A_47 = arith.select %gt3A_40, %broadcast_in_dim3A_39, %select_n3A_32 : vector<16xi1>, vector<16xf32>
      %get3A_48 = arith.constant 3 : i32
      %get3A_49 = arith.index_cast %get3A_48 : i32 to index
      %get3A_50 = arith.index_cast %mul3A_10 : i32 to index
      %get3A_51 = tpu.vector_load %arg4[%get3A_49, %get3A_50] {strides = array<i32>} : memref<8x256xf32, #tpu.memory_space<vmem>>, vector<1x16xf32>,
      %get3A_52 = vector.shape_cast %get3A_51 : vector<1x16xf32> to vector<16xf32>
      %broadcast_in_dim3A_53 = arith.constant 3.000000e+00 : f32
      %broadcast_in_dim3A_54 = vector.broadcast %broadcast_in_dim3A_53 : f32 to vector<16xf32>
      %gt3A_55 = arith.cmpf ogt, %get3A_52, %select_n3A_46 : vector<16xf32>
      %gt3A_56 = arith.cmpf ogt, %get3A_52, %select_n3A_43 : vector<16xf32>
      %select_n3A_57 = arith.select %gt3A_56, %get3A_52, %select_n3A_43 : vector<16xi1>, vector<16xf32>
      %select_n3A_58 = arith.select %gt3A_55, %select_n3A_46, %select_n3A_57 : vector<16xi1>, vector<16xf32>
      %select_n3A_59 = arith.select %gt3A_56, %broadcast_in_dim3A_54, %select_n3A_45 : vector<16xi1>, vector<16xf32>
      %select_n3A_60 = arith.select %gt3A_55, %select_n3A_47, %select_n3A_59 : vector<16xi1>, vector<16xf32>
      %select_n3A_61 = arith.select %gt3A_55, %get3A_52, %select_n3A_46 : vector<16xi1>, vector<16xf32>
      %select_n3A_62 = arith.select %gt3A_55, %broadcast_in_dim3A_54, %select_n3A_47 : vector<16xi1>, vector<16xf32>
      %get3A_63 = arith.constant 4 : i32
      %get3A_64 = arith.index_cast %get3A_63 : i32 to index
      %get3A_65 = arith.index_cast %mul3A_10 : i32 to index
      %get3A_66 = tpu.vector_load %arg4[%get3A_64, %get3A_65] {strides = array<i32>} : memref<8x256xf32, #tpu.memory_space<vmem>>, vector<1x16xf32>,
      %get3A_67 = vector.shape_cast %get3A_66 : vector<1x16xf32> to vector<16xf32>
      %broadcast_in_dim3A_68 = arith.constant 4.000000e+00 : f32
      %broadcast_in_dim3A_69 = vector.broadcast %broadcast_in_dim3A_68 : f32 to vector<16xf32>
      %gt3A_70 = arith.cmpf ogt, %get3A_67, %select_n3A_61 : vector<16xf32>
      %gt3A_71 = arith.cmpf ogt, %get3A_67, %select_n3A_58 : vector<16xf32>
      %select_n3A_72 = arith.select %gt3A_71, %get3A_67, %select_n3A_58 : vector<16xi1>, vector<16xf32>
      %select_n3A_73 = arith.select %gt3A_70, %select_n3A_61, %select_n3A_72 : vector<16xi1>, vector<16xf32>
      %select_n3A_74 = arith.select %gt3A_71, %broadcast_in_dim3A_69, %select_n3A_60 : vector<16xi1>, vector<16xf32>
      %select_n3A_75 = arith.select %gt3A_70, %select_n3A_62, %select_n3A_74 : vector<16xi1>, vector<16xf32>
      %select_n3A_76 = arith.select %gt3A_70, %get3A_67, %select_n3A_61 : vector<16xi1>, vector<16xf32>
      %select_n3A_77 = arith.select %gt3A_70, %broadcast_in_dim3A_69, %select_n3A_62 : vector<16xi1>, vector<16xf32>
      %get3A_78 = arith.constant 5 : i32
      %get3A_79 = arith.index_cast %get3A_78 : i32 to index
      %get3A_80 = arith.index_cast %mul3A_10 : i32 to index
      %get3A_81 = tpu.vector_load %arg4[%get3A_79, %get3A_80] {strides = array<i32>} : memref<8x256xf32, #tpu.memory_space<vmem>>, vector<1x16xf32>,
      %get3A_82 = vector.shape_cast %get3A_81 : vector<1x16xf32> to vector<16xf32>
      %broadcast_in_dim3A_83 = arith.constant 5.000000e+00 : f32
      %broadcast_in_dim3A_84 = vector.broadcast %broadcast_in_dim3A_83 : f32 to vector<16xf32>
      %gt3A_85 = arith.cmpf ogt, %get3A_82, %select_n3A_76 : vector<16xf32>
      %gt3A_86 = arith.cmpf ogt, %get3A_82, %select_n3A_73 : vector<16xf32>
      %select_n3A_87 = arith.select %gt3A_86, %get3A_82, %select_n3A_73 : vector<16xi1>, vector<16xf32>
      %select_n3A_88 = arith.select %gt3A_85, %select_n3A_76, %select_n3A_87 : vector<16xi1>, vector<16xf32>
      %select_n3A_89 = arith.select %gt3A_86, %broadcast_in_dim3A_84, %select_n3A_75 : vector<16xi1>, vector<16xf32>
      %select_n3A_90 = arith.select %gt3A_85, %select_n3A_77, %select_n3A_89 : vector<16xi1>, vector<16xf32>
      %select_n3A_91 = arith.select %gt3A_85, %get3A_82, %select_n3A_76 : vector<16xi1>, vector<16xf32>
      %select_n3A_92 = arith.select %gt3A_85, %broadcast_in_dim3A_84, %select_n3A_77 : vector<16xi1>, vector<16xf32>
      %get3A_93 = arith.constant 6 : i32
      %get3A_94 = arith.index_cast %get3A_93 : i32 to index
      %get3A_95 = arith.index_cast %mul3A_10 : i32 to index
      %get3A_96 = tpu.vector_load %arg4[%get3A_94, %get3A_95] {strides = array<i32>} : memref<8x256xf32, #tpu.memory_space<vmem>>, vector<1x16xf32>,
      %get3A_97 = vector.shape_cast %get3A_96 : vector<1x16xf32> to vector<16xf32>
      %broadcast_in_dim3A_98 = arith.constant 6.000000e+00 : f32
      %broadcast_in_dim3A_99 = vector.broadcast %broadcast_in_dim3A_98 : f32 to vector<16xf32>
      %gt3A_100 = arith.cmpf ogt, %get3A_97, %select_n3A_91 : vector<16xf32>
      %gt3A_101 = arith.cmpf ogt, %get3A_97, %select_n3A_88 : vector<16xf32>
      %select_n3A_102 = arith.select %gt3A_101, %get3A_97, %select_n3A_88 : vector<16xi1>, vector<16xf32>
      %select_n3A_103 = arith.select %gt3A_100, %select_n3A_91, %select_n3A_102 : vector<16xi1>, vector<16xf32>
      %select_n3A_104 = arith.select %gt3A_101, %broadcast_in_dim3A_99, %select_n3A_90 : vector<16xi1>, vector<16xf32>
      %select_n3A_105 = arith.select %gt3A_100, %select_n3A_92, %select_n3A_104 : vector<16xi1>, vector<16xf32>
      %select_n3A_106 = arith.select %gt3A_100, %get3A_97, %select_n3A_91 : vector<16xi1>, vector<16xf32>
      %select_n3A_107 = arith.select %gt3A_100, %broadcast_in_dim3A_99, %select_n3A_92 : vector<16xi1>, vector<16xf32>
      %get3A_108 = arith.constant 7 : i32
      %get3A_109 = arith.index_cast %get3A_108 : i32 to index
      %get3A_110 = arith.index_cast %mul3A_10 : i32 to index
      %get3A_111 = tpu.vector_load %arg4[%get3A_109, %get3A_110] {strides = array<i32>} : memref<8x256xf32, #tpu.memory_space<vmem>>, vector<1x16xf32>,
      %get3A_112 = vector.shape_cast %get3A_111 : vector<1x16xf32> to vector<16xf32>
      %broadcast_in_dim3A_113 = arith.constant 7.000000e+00 : f32
      %broadcast_in_dim3A_114 = vector.broadcast %broadcast_in_dim3A_113 : f32 to vector<16xf32>
      %gt3A_115 = arith.cmpf ogt, %get3A_112, %select_n3A_106 : vector<16xf32>
      %gt3A_116 = arith.cmpf ogt, %get3A_112, %select_n3A_103 : vector<16xf32>
      %select_n3A_117 = arith.select %gt3A_116, %get3A_112, %select_n3A_103 : vector<16xi1>, vector<16xf32>
      %select_n3A_118 = arith.select %gt3A_115, %select_n3A_106, %select_n3A_117 : vector<16xi1>, vector<16xf32>
      %select_n3A_119 = arith.select %gt3A_116, %broadcast_in_dim3A_114, %select_n3A_105 : vector<16xi1>, vector<16xf32>
      %select_n3A_120 = arith.select %gt3A_115, %select_n3A_107, %select_n3A_119 : vector<16xi1>, vector<16xf32>
      %select_n3A_121 = arith.select %gt3A_115, %get3A_112, %select_n3A_106 : vector<16xi1>, vector<16xf32>
      %select_n3A_122 = arith.select %gt3A_115, %broadcast_in_dim3A_114, %select_n3A_107 : vector<16xi1>, vector<16xf32>
      %sub3A = arith.subf %select_n3A_118, %select_n3A_121 : vector<16xf32>
      %exp3A = math.exp %sub3A : vector<16xf32>
      %add3A_123 = arith.constant 1.000000e+00 : f32
      %add3A_124 = vector.broadcast %add3A_123 : f32 to vector<16xf32>
      %add3A_125 = arith.addf %add3A_124, %exp3A : vector<16xf32>
      %div3A = arith.divf %exp3A, %add3A_125 : vector<16xf32>
      %swap3A = arith.constant 0 : i32
      %swap3A_126 = arith.index_cast %swap3A : i32 to index
      %swap3A_127 = arith.index_cast %mul3A_10 : i32 to index
      %swap3A_128 = tpu.vector_load %arg5[%swap3A_126, %swap3A_127] {strides = array<i32>} : memref<4x256xf32, #tpu.memory_space<vmem>>, vector<1x16xf32>,
      %swap3A_129 = vector.shape_cast %swap3A_128 : vector<1x16xf32> to vector<16xf32>
      %swap3A_130 = vector.shape_cast %select_n3A_122 : vector<16xf32> to vector<1x16xf32>
      tpu.vector_store %arg5[%swap3A_126, %swap3A_127], %swap3A_130 {strides = array<i32>} : memref<4x256xf32, #tpu.memory_space<vmem>>, vector<1x16xf32>,
      %swap3A_131 = arith.constant 1 : i32
      %swap3A_132 = arith.index_cast %swap3A_131 : i32 to index
      %swap3A_133 = arith.index_cast %mul3A_10 : i32 to index
      %swap3A_134 = tpu.vector_load %arg5[%swap3A_132, %swap3A_133] {strides = array<i32>} : memref<4x256xf32, #tpu.memory_space<vmem>>, vector<1x16xf32>,
      %swap3A_135 = vector.shape_cast %swap3A_134 : vector<1x16xf32> to vector<16xf32>
      %swap3A_136 = vector.shape_cast %select_n3A_120 : vector<16xf32> to vector<1x16xf32>
      tpu.vector_store %arg5[%swap3A_132, %swap3A_133], %swap3A_136 {strides = array<i32>} : memref<4x256xf32, #tpu.memory_space<vmem>>, vector<1x16xf32>,
      %sub3A_137 = arith.constant 1.000000e+00 : f32
      %sub3A_138 = vector.broadcast %sub3A_137 : f32 to vector<16xf32>
      %sub3A_139 = arith.subf %sub3A_138, %div3A : vector<16xf32>
      %swap3A_140 = arith.constant 2 : i32
      %swap3A_141 = arith.index_cast %swap3A_140 : i32 to index
      %swap3A_142 = arith.index_cast %mul3A_10 : i32 to index
      %swap3A_143 = tpu.vector_load %arg5[%swap3A_141, %swap3A_142] {strides = array<i32>} : memref<4x256xf32, #tpu.memory_space<vmem>>, vector<1x16xf32>,
      %swap3A_144 = vector.shape_cast %swap3A_143 : vector<1x16xf32> to vector<16xf32>
      %swap3A_145 = vector.shape_cast %sub3A_139 : vector<16xf32> to vector<1x16xf32>
      tpu.vector_store %arg5[%swap3A_141, %swap3A_142], %swap3A_145 {strides = array<i32>} : memref<4x256xf32, #tpu.memory_space<vmem>>, vector<1x16xf32>,
      %swap3A_146 = arith.constant 3 : i32
      %swap3A_147 = arith.index_cast %swap3A_146 : i32 to index
      %swap3A_148 = arith.index_cast %mul3A_10 : i32 to index
      %swap3A_149 = tpu.vector_load %arg5[%swap3A_147, %swap3A_148] {strides = array<i32>} : memref<4x256xf32, #tpu.memory_space<vmem>>, vector<1x16xf32>,
      %swap3A_150 = vector.shape_cast %swap3A_149 : vector<1x16xf32> to vector<16xf32>
      %swap3A_151 = vector.shape_cast %div3A : vector<16xf32> to vector<1x16xf32>
      tpu.vector_store %arg5[%swap3A_147, %swap3A_148], %swap3A_151 {strides = array<i32>} : memref<4x256xf32, #tpu.memory_space<vmem>>, vector<1x16xf32>,
    }
    %scan3A_7 = arith.constant 16 : i32
    "tpu.region"() ({
      %run_scoped3A = tpu.sem_alloc : memref<!tpu.dma_semaphore, #tpu.memory_space<semaphore_mem>>
      %dma_start3A = arith.constant 0 : i32
      %dma_start3A_8 = tpu.memref_slice %arg3[%dma_start3A, %mul3A_2] : memref<4x8192xf32, #tpu.memory_space<hbm>> -> memref<4x256xf32, #tpu.memory_space<hbm>>
      %dma_start3A_9 = arith.constant 0 : i32
      %dma_start3A_10 = tpu.memref_slice %arg3[%dma_start3A_9, %mul3A_2] : memref<4x8192xf32, #tpu.memory_space<hbm>> -> memref<4x256xf32, #tpu.memory_space<hbm>>
      tpu.enqueue_dma source(%arg5 : memref<4x256xf32, #tpu.memory_space<vmem>>) target(%dma_start3A_10 : memref<4x256xf32, #tpu.memory_space<hbm>>) target_semaphore(%run_scoped3A : memref<!tpu.dma_semaphore, #tpu.memory_space<semaphore_mem>>)
      %dma_wait3A = arith.constant 0 : i32
      %dma_wait3A_11 = tpu.memref_slice %arg3[%dma_wait3A, %mul3A_2] : memref<4x8192xf32, #tpu.memory_space<hbm>> -> memref<4x256xf32, #tpu.memory_space<hbm>>
      %dma_wait3A_12 = arith.constant 0 : i32
      %dma_wait3A_13 = tpu.memref_slice %arg3[%dma_wait3A_12, %mul3A_2] : memref<4x8192xf32, #tpu.memory_space<hbm>> -> memref<4x256xf32, #tpu.memory_space<hbm>>
      tpu.wait_dma2 semaphore(%run_scoped3A : memref<!tpu.dma_semaphore, #tpu.memory_space<semaphore_mem>>) src(%arg5 : memref<4x256xf32, #tpu.memory_space<vmem>>) dst(%dma_wait3A_13 : memref<4x256xf32, #tpu.memory_space<hbm>>)
      tpu.yield
    }) : () -> ()
    return
  }
}

module attributes {stable_mosaic.version = 14 : i64} {
  func.func @_matmul_block(%arg0: i32, %arg1: memref<4096x768xf32, #tpu.memory_space<vmem>>, %arg2: memref<8x768xf32, #tpu.memory_space<vmem>>, %arg3: memref<8x4096xf32, #tpu.memory_space<vmem>>) attributes {dimension_semantics = [#tpu.dimension_semantics<arbitrary>], iteration_bounds = array<i64: 2>, scalar_prefetch = 0 : i64, scratch_operands = 0 : i64, tpu.core_type = #tpu.core_type<tc>, window_params = [{transform_indices = @transform_0, window_bounds = array<i64: 4096, 768>}, {pipeline_mode = #tpu.pipeline_mode<synchronous>, transform_indices = @transform_1, window_bounds = array<i64: 8, 768>}, {transform_indices = @transform_2, window_bounds = array<i64: 8, 4096>}]} {
    %get3A = arith.constant 0 : index
    %get3A_0 = arith.constant 0 : index
    %get3A_1 = vector.load %arg2[%get3A, %get3A_0] : memref<8x768xf32, #tpu.memory_space<vmem>>, vector<8x768xf32>
    %get3A_2 = arith.constant 0 : index
    %get3A_3 = arith.constant 0 : index
    %get3A_4 = vector.load %arg1[%get3A_2, %get3A_3] : memref<4096x768xf32, #tpu.memory_space<vmem>>, vector<4096x768xf32>
    %dot_general3A = arith.constant dense<0.000000e+00> : vector<8x4096xf32>
    %dot_general3A_5 = tpu.matmul %get3A_1, %get3A_4, %dot_general3A {dimension_numbers = #tpu.dot_dimension_numbers<[1], [1], [0], [0], [0, 0, 1, 0], [], []>, transpose_lhs_hint = false} : vector<8x768xf32>, vector<4096x768xf32>, vector<8x4096xf32> -> vector<8x4096xf32>
    %swap3A = arith.constant 0 : index
    %swap3A_6 = arith.constant 0 : index
    %swap3A_7 = vector.load %arg3[%swap3A, %swap3A_6] : memref<8x4096xf32, #tpu.memory_space<vmem>>, vector<8x4096xf32>
    tpu.vector_store %arg3[%swap3A, %swap3A_6], %dot_general3A_5 {strides = array<i32>} : memref<8x4096xf32, #tpu.memory_space<vmem>>, vector<8x4096xf32>,
    return
  }
  func.func @transform_0(%arg0: i32) -> (i32, i32) {
    %add3A = arith.constant 2 : i32
    %add3A_0 = arith.addi %add3A, %arg0 : i32
    %c0_i32 = arith.constant 0 : i32
    %c0_i32_1 = arith.constant 0 : i32
    return %add3A_0, %c0_i32 : i32, i32
  }
  func.func @transform_1(%arg0: i32) -> (i32, i32) {
    %c0_i32 = arith.constant 0 : i32
    %c0_i32_0 = arith.constant 0 : i32
    %c0_i32_1 = arith.constant 0 : i32
    return %c0_i32, %c0_i32_0 : i32, i32
  }
  func.func @transform_2(%arg0: i32) -> (i32, i32) {
    %c0_i32 = arith.constant 0 : i32
    %c0_i32_0 = arith.constant 0 : i32
    return %c0_i32, %arg0 : i32, i32
  }
}

module attributes {stable_mosaic.version = 14 : i64} {
  func.func @_matmul_block(%arg0: i32, %arg1: memref<4096x768xf32, #tpu.memory_space<vmem>>, %arg2: memref<8x768xf32, #tpu.memory_space<vmem>>, %arg3: memref<8x4096xf32, #tpu.memory_space<vmem>>) attributes {dimension_semantics = [#tpu.dimension_semantics<arbitrary>], iteration_bounds = array<i64: 2>, scalar_prefetch = 0 : i64, scratch_operands = 0 : i64, tpu.core_type = #tpu.core_type<tc>, window_params = [{transform_indices = @transform_0, window_bounds = array<i64: 4096, 768>}, {pipeline_mode = #tpu.pipeline_mode<synchronous>, transform_indices = @transform_1, window_bounds = array<i64: 8, 768>}, {transform_indices = @transform_2, window_bounds = array<i64: 8, 4096>}]} {
    %get3A = arith.constant 0 : index
    %get3A_0 = arith.constant 0 : index
    %get3A_1 = vector.load %arg2[%get3A, %get3A_0] : memref<8x768xf32, #tpu.memory_space<vmem>>, vector<8x768xf32>
    %get3A_2 = arith.constant 0 : index
    %get3A_3 = arith.constant 0 : index
    %get3A_4 = vector.load %arg1[%get3A_2, %get3A_3] : memref<4096x768xf32, #tpu.memory_space<vmem>>, vector<4096x768xf32>
    %dot_general3A = arith.constant dense<0.000000e+00> : vector<8x4096xf32>
    %dot_general3A_5 = tpu.matmul %get3A_1, %get3A_4, %dot_general3A {dimension_numbers = #tpu.dot_dimension_numbers<[1], [1], [0], [0], [0, 0, 1, 0], [], []>, transpose_lhs_hint = false} : vector<8x768xf32>, vector<4096x768xf32>, vector<8x4096xf32> -> vector<8x4096xf32>
    %swap3A = arith.constant 0 : index
    %swap3A_6 = arith.constant 0 : index
    %swap3A_7 = vector.load %arg3[%swap3A, %swap3A_6] : memref<8x4096xf32, #tpu.memory_space<vmem>>, vector<8x4096xf32>
    tpu.vector_store %arg3[%swap3A, %swap3A_6], %dot_general3A_5 {strides = array<i32>} : memref<8x4096xf32, #tpu.memory_space<vmem>>, vector<8x4096xf32>,
    return
  }
  func.func @transform_0(%arg0: i32) -> (i32, i32) {
    %add3A = arith.constant 4 : i32
    %add3A_0 = arith.addi %add3A, %arg0 : i32
    %c0_i32 = arith.constant 0 : i32
    %c0_i32_1 = arith.constant 0 : i32
    return %add3A_0, %c0_i32 : i32, i32
  }
  func.func @transform_1(%arg0: i32) -> (i32, i32) {
    %c0_i32 = arith.constant 0 : i32
    %c0_i32_0 = arith.constant 0 : i32
    %c0_i32_1 = arith.constant 0 : i32
    return %c0_i32, %c0_i32_0 : i32, i32
  }
  func.func @transform_2(%arg0: i32) -> (i32, i32) {
    %c0_i32 = arith.constant 0 : i32
    %c0_i32_0 = arith.constant 0 : i32
    return %c0_i32, %arg0 : i32, i32
  }
}

module attributes {stable_mosaic.version = 14 : i64} {
  func.func @_matmul_block(%arg0: i32, %arg1: memref<4096x768xf32, #tpu.memory_space<vmem>>, %arg2: memref<8x768xf32, #tpu.memory_space<vmem>>, %arg3: memref<8x4096xf32, #tpu.memory_space<vmem>>) attributes {dimension_semantics = [#tpu.dimension_semantics<arbitrary>], iteration_bounds = array<i64: 2>, scalar_prefetch = 0 : i64, scratch_operands = 0 : i64, tpu.core_type = #tpu.core_type<tc>, window_params = [{transform_indices = @transform_0, window_bounds = array<i64: 4096, 768>}, {pipeline_mode = #tpu.pipeline_mode<synchronous>, transform_indices = @transform_1, window_bounds = array<i64: 8, 768>}, {transform_indices = @transform_2, window_bounds = array<i64: 8, 4096>}]} {
    %get3A = arith.constant 0 : index
    %get3A_0 = arith.constant 0 : index
    %get3A_1 = vector.load %arg2[%get3A, %get3A_0] : memref<8x768xf32, #tpu.memory_space<vmem>>, vector<8x768xf32>
    %get3A_2 = arith.constant 0 : index
    %get3A_3 = arith.constant 0 : index
    %get3A_4 = vector.load %arg1[%get3A_2, %get3A_3] : memref<4096x768xf32, #tpu.memory_space<vmem>>, vector<4096x768xf32>
    %dot_general3A = arith.constant dense<0.000000e+00> : vector<8x4096xf32>
    %dot_general3A_5 = tpu.matmul %get3A_1, %get3A_4, %dot_general3A {dimension_numbers = #tpu.dot_dimension_numbers<[1], [1], [0], [0], [0, 0, 1, 0], [], []>, transpose_lhs_hint = false} : vector<8x768xf32>, vector<4096x768xf32>, vector<8x4096xf32> -> vector<8x4096xf32>
    %swap3A = arith.constant 0 : index
    %swap3A_6 = arith.constant 0 : index
    %swap3A_7 = vector.load %arg3[%swap3A, %swap3A_6] : memref<8x4096xf32, #tpu.memory_space<vmem>>, vector<8x4096xf32>
    tpu.vector_store %arg3[%swap3A, %swap3A_6], %dot_general3A_5 {strides = array<i32>} : memref<8x4096xf32, #tpu.memory_space<vmem>>, vector<8x4096xf32>,
    return
  }
  func.func @transform_0(%arg0: i32) -> (i32, i32) {
    %add3A = arith.constant 6 : i32
    %add3A_0 = arith.addi %add3A, %arg0 : i32
    %c0_i32 = arith.constant 0 : i32
    %c0_i32_1 = arith.constant 0 : i32
    return %add3A_0, %c0_i32 : i32, i32
  }
  func.func @transform_1(%arg0: i32) -> (i32, i32) {
    %c0_i32 = arith.constant 0 : i32
    %c0_i32_0 = arith.constant 0 : i32
    %c0_i32_1 = arith.constant 0 : i32
    return %c0_i32, %c0_i32_0 : i32, i32
  }
  func.func @transform_2(%arg0: i32) -> (i32, i32) {
    %c0_i32 = arith.constant 0 : i32
    %c0_i32_0 = arith.constant 0 : i32
    return %c0_i32, %arg0 : i32, i32
  }
}

module attributes {stable_mosaic.version = 14 : i64} {
  func.func @_matmul_block(%arg0: i32, %arg1: memref<4096x768xf32, #tpu.memory_space<vmem>>, %arg2: memref<8x768xf32, #tpu.memory_space<vmem>>, %arg3: memref<8x4096xf32, #tpu.memory_space<vmem>>) attributes {dimension_semantics = [#tpu.dimension_semantics<arbitrary>], iteration_bounds = array<i64: 2>, scalar_prefetch = 0 : i64, scratch_operands = 0 : i64, tpu.core_type = #tpu.core_type<tc>, window_params = [{transform_indices = @transform_0, window_bounds = array<i64: 4096, 768>}, {pipeline_mode = #tpu.pipeline_mode<synchronous>, transform_indices = @transform_1, window_bounds = array<i64: 8, 768>}, {transform_indices = @transform_2, window_bounds = array<i64: 8, 4096>}]} {
    %get3A = arith.constant 0 : index
    %get3A_0 = arith.constant 0 : index
    %get3A_1 = vector.load %arg2[%get3A, %get3A_0] : memref<8x768xf32, #tpu.memory_space<vmem>>, vector<8x768xf32>
    %get3A_2 = arith.constant 0 : index
    %get3A_3 = arith.constant 0 : index
    %get3A_4 = vector.load %arg1[%get3A_2, %get3A_3] : memref<4096x768xf32, #tpu.memory_space<vmem>>, vector<4096x768xf32>
    %dot_general3A = arith.constant dense<0.000000e+00> : vector<8x4096xf32>
    %dot_general3A_5 = tpu.matmul %get3A_1, %get3A_4, %dot_general3A {dimension_numbers = #tpu.dot_dimension_numbers<[1], [1], [0], [0], [0, 0, 1, 0], [], []>, transpose_lhs_hint = false} : vector<8x768xf32>, vector<4096x768xf32>, vector<8x4096xf32> -> vector<8x4096xf32>
    %swap3A = arith.constant 0 : index
    %swap3A_6 = arith.constant 0 : index
    %swap3A_7 = vector.load %arg3[%swap3A, %swap3A_6] : memref<8x4096xf32, #tpu.memory_space<vmem>>, vector<8x4096xf32>
    tpu.vector_store %arg3[%swap3A, %swap3A_6], %dot_general3A_5 {strides = array<i32>} : memref<8x4096xf32, #tpu.memory_space<vmem>>, vector<8x4096xf32>,
    return
  }
  func.func @transform_0(%arg0: i32) -> (i32, i32) {
    %add3A = arith.constant 0 : i32
    %add3A_0 = arith.addi %add3A, %arg0 : i32
    %c0_i32 = arith.constant 0 : i32
    %c0_i32_1 = arith.constant 0 : i32
    return %add3A_0, %c0_i32 : i32, i32
  }
  func.func @transform_1(%arg0: i32) -> (i32, i32) {
    %c0_i32 = arith.constant 0 : i32
    %c0_i32_0 = arith.constant 0 : i32
    %c0_i32_1 = arith.constant 0 : i32
    return %c0_i32, %c0_i32_0 : i32, i32
  }
  func.func @transform_2(%arg0: i32) -> (i32, i32) {
    %c0_i32 = arith.constant 0 : i32
    %c0_i32_0 = arith.constant 0 : i32
    return %c0_i32, %arg0 : i32, i32
  }
}

</mosaic_0001>

<sc_bundles>
// kernel: kernel.10.cloned.1.call-start
scs
__scs_entry_jumppad:
0x0: {  	(pc) =	sbr.rel $0x88, $3  }
0x1: {  	(tag) =	ssettag $0x0;
	lr =	simm.s32 $0x1  }
0x2: {  	[smem:$0x3F9F] =	sst lr;
	_ =	strace $0xD0000000  }
0x3: {  	_ = 	snop  }
0x4: {  	_ = 	snop  }
0x5: {  	_ = 	snop  }
0x6: {  	_ = 	snop  }
0x7: {  	_ = 	snop  }
__scs_overlays_trampoline_lowered:
0x8: {  	[smem:$0x3FAE] =	sst s0  }
0x9: {  	[smem:$0x3FAF] =	sst s1  }
0xa: {  	[smem:$0x3FB0] =	sst s2  }
0xb: {  	[smem:$0x3FB1] =	sst s3  }
0xc: {  	[smem:$0x3FB2] =	sst s4  }
0xd: {  	[smem:$0x3FB3] =	sst s5  }
0xe: {  	[smem:$0x3FB4] =	sst s6  }
0xf: {  	[smem:$0x3FB5] =	sst s7  }
0x10: {  	[smem:$0x3FB6] =	sst s8  }
0x11: {  	[smem:$0x3FB7] =	sst s9;
	s0 =	simm.s32 @!p0 $0x0  }
0x12: {  	s1 =	sld [smem:$0x3F9D];
	s0 =	simm.s32 @p0 $0x1  }
0x13: {  	[smem:$0x3FB8] =	sst s0;
	s0 =	simm.s32 @!p1 $0x0  }
0x14: {  	s2 =	sld [smem:$0x3F9C];
	s0 =	simm.s32 @p1 $0x1  }
0x15: {  	[smem:$0x3FB9] =	sst s0;
	s0 =	simm.s32 @!p2 $0x0  }
0x16: {  	s3 =	sld [smem:$0x3FDB];
	s0 =	simm.s32 @p2 $0x1  }
0x17: {  	s4 =	simm.s32 $0x1BF5;
	[smem:$0x3FBB] =	sst s0  }
0x18: {  	s0 =	sld [smem:$0x3F9E];
	_ =	swait.ge [sflag:s4], $0x0  }
0x19: {  	s7 =	sld [smem:$0x3F9F]  }
0x1a: {  	s8 =	sadd.s32 $0xFFFFE003, lr  }
0x1b: {  	s9 =	sadd.s32 $0xFFFFFEF7, lr;
	s5 =	simm.s32 $0xFFFFFFFF;
	p2 =	slt.u32 s8, $0xFFFFF086  }
0x1c: {  	p1 =	slt.u32 s9, $0xF7A;
	s5 =	simm.s32 @!p2 $0x0  }
0x1d: {  	s5 =	simm.s32 @p1 $0x1;
	p0 =	seq.s32 s7, s2  }
0x1e: {  	s7 =	smul.u32 @!p0 $0xF7A, s2;
	p2 =	seq.s32 @!p0 s5, $0x0  }
0x1f: {  	s9 =	smul.u32 $0xF7A, s1;
	s8 =	simm.s32 @!p0 $0x1BF5;
	p2 =	por !p2, p0  }
0x20: {  	[sflag:s8] =	ssyncset.s32 @!p0 $0xFFFFF086;
	s6 =	sadd.s32 @!p0 s3, s7;
	s7 =	simm.s32 @!p0 $0x108  }
0x21: {  	s3 =	sadd.s32 s3, s9;
	s6 =	sadd.s32 @!p0 $0x88, s6;
	s7 =	simm.s32 @p2 $0x1082  }
0x22: {  	[simem:s7], [sflag:s8] =	dma.local @!p0 [hbm:s6], $0xF7A  }
0x23: {  	s9 =	sor.u32 $0xD0000000, s2;
	s6 =	simm.s32 $0x108;
	_ =	swait.ge @!p0 [sflag:s8], $0x0  }
0x24: {  	s3 =	sadd.s32 $0x88, s3;
	s6 =	simm.s32 @!p1 $0x1082;
	[sflag:s4] =	ssyncset.s32 $0xFFFFF086  }
0x25: {  	[simem:s6], [sflag:s4] =	dma.local [hbm:s3], $0xF7A  }
0x26: {  	[smem:$0x3F9F] =	sst s1;
	(tag) =	ssettag s2;
	_ =	strace s9  }
0x27: {  	s1 =	sld [smem:$0x3FAF]  }
0x28: {  	s2 =	sld [smem:$0x3FB0]  }
0x29: {  	s4 =	sld [smem:$0x3FB2]  }
0x2a: {  	p0 =	seq.s32 s5, $0x0;
	s5 =	sld [smem:$0x3FB3]  }
0x2b: {  	s6 =	sld [smem:$0x3FB4]  }
0x2c: {  	s7 =	sld [smem:$0x3FB5]  }
0x2d: {  	s3 =	simm.s32 $0x108;
	s8 =	sld [smem:$0x3FB6]  }
0x2e: {  	s3 =	simm.s32 @!p0 $0x1082;
	s9 =	sld [smem:$0x3FB7]  }
0x2f: {  	lr =	sadd.s32 s0, s3;
	s0 =	sld [smem:$0x3FAE]  }
0x30: {  	s3 =	sld [smem:$0x3FB1]  }
0x31: {  	[smem:$0x3FBA] =	sst s10  }
0x32: {  	s10 =	sld [smem:$0x3FB8];
	_ =	sdelay $0x3  }
0x33: {  	p0 =	seq.s32 s10, $0x1;
	s10 =	sld [smem:$0x3FBA];
	_ =	sdelay $0x3  }
0x34: {  	[smem:$0x3FBA] =	sst s10  }
0x35: {  	s10 =	sld [smem:$0x3FB9];
	_ =	sdelay $0x3  }
0x36: {  	p1 =	seq.s32 s10, $0x1;
	s10 =	sld [smem:$0x3FBA];
	_ =	sdelay $0x3  }
0x37: {  	[smem:$0x3FBA] =	sst s10  }
0x38: {  	s10 =	sld [smem:$0x3FBB]  }
0x39: {  	_ = 	snop;
	(pc) =	sbr.ind lr, $3  }
0x3a: {  	_ = 	snop  }
0x3b: {  	_ = 	snop  }
0x3c: {  	p2 =	seq.s32 s10, $0x1;
	s10 =	sld [smem:$0x3FBA]  }
0x3d: {  	_ =	shalt  }
0x3e: {  	_ =	shalt  }
0x3f: {  	_ =	shalt  }
0x40: {  	_ =	shalt  }
0x41: {  	_ =	shalt  }
0x42: {  	_ =	shalt  }
0x43: {  	_ =	shalt  }
0x44: {  	_ =	shalt  }
0x45: {  	_ =	shalt  }
0x46: {  	_ =	shalt  }
0x47: {  	_ =	shalt  }
0x48: {  	_ =	shalt  }
0x49: {  	_ =	shalt  }
0x4a: {  	_ =	shalt  }
0x4b: {  	_ =	shalt  }
0x4c: {  	_ =	shalt  }
0x4d: {  	_ =	shalt  }
0x4e: {  	_ =	shalt  }
0x4f: {  	_ =	shalt  }
0x50: {  	_ =	shalt  }
0x51: {  	_ =	shalt  }
0x52: {  	_ =	shalt  }
0x53: {  	_ =	shalt  }
0x54: {  	_ =	shalt  }
0x55: {  	_ =	shalt  }
0x56: {  	_ =	shalt  }
0x57: {  	_ =	shalt  }
0x58: {  	_ =	shalt  }
0x59: {  	_ =	shalt  }
0x5a: {  	_ =	shalt  }
0x5b: {  	_ =	shalt  }
0x5c: {  	_ =	shalt  }
0x5d: {  	_ =	shalt  }
0x5e: {  	_ =	shalt  }
0x5f: {  	_ =	shalt  }
0x60: {  	_ =	shalt  }
0x61: {  	_ =	shalt  }
0x62: {  	_ =	shalt  }
0x63: {  	_ =	shalt  }
0x64: {  	_ =	shalt  }
0x65: {  	_ =	shalt  }
0x66: {  	_ =	shalt  }
0x67: {  	_ =	shalt  }
0x68: {  	_ =	shalt  }
0x69: {  	_ =	shalt  }
0x6a: {  	_ =	shalt  }
0x6b: {  	_ =	shalt  }
0x6c: {  	_ =	shalt  }
0x6d: {  	_ =	shalt  }
0x6e: {  	_ =	shalt  }
0x6f: {  	_ =	shalt  }
0x70: {  	_ =	shalt  }
0x71: {  	_ =	shalt  }
0x72: {  	_ =	shalt  }
0x73: {  	_ =	shalt  }
0x74: {  	_ =	shalt  }
0x75: {  	_ =	shalt  }
0x76: {  	_ =	shalt  }
0x77: {  	_ =	shalt  }
0x78: {  	_ =	shalt  }
0x79: {  	_ =	shalt  }
0x7a: {  	_ =	shalt  }
0x7b: {  	_ =	shalt  }
0x7c: {  	_ =	shalt  }
0x7d: {  	_ =	shalt  }
0x7e: {  	_ =	shalt  }
0x7f: {  	_ =	shalt  }
0x80: {  	_ =	shalt  }
0x81: {  	_ =	shalt  }
0x82: {  	_ =	shalt  }
0x83: {  	_ =	shalt  }
0x84: {  	_ =	shalt  }
0x85: {  	_ =	shalt  }
0x86: {  	_ =	shalt  }
0x87: {  	_ =	shalt  }
.Lfunc_end0:
.L_simem_size_0:
called_computation_lowered:
.L_overlay_start_0:
0x88: {  	s2 =	sld [smem:$0x3FD9]  }
0x89: {  	s3 =	sld [smem:$0x3FFE];
	_ =	sdelay $0x1  }
0x8a: {  	s1 =	srdreg.scid  }
0x8b: {  	s0 =	sand.u32 $0x1, s1  }
0x8c: {  	s17 =	sshll.u32 s0, $0xA;
	s2 =	sadd.s32 s3, s2  }
0x8d: {  	s2 =	sadd.s32 s2, s17  }
0x8e: {  	[smem:$0x3FC6] =	sst s2  }
0x8f: {  	_ = 	snop  }
0x90: {  	(tm) =	ssettm $0x1  }
0x91: {  	s18 =	sld [smem:$0x3FFB];
	_ =	sdelay $0x3  }
0x92: {  	_ =	strace s18  }
0x93: {  	s2 =	sld [smem:$0x3FFC];
	_ =	sdelay $0x3  }
0x94: {  	_ =	strace s2  }
0x95: {  	s2 =	sld [smem:$0x3FFD];
	_ =	sdelay $0x3  }
0x96: {  	_ =	strace s2  }
0x97: {  	_ =	strace $0x8FFFFFFF  }
0x98: {  	s19 =	sld [smem:$0x3FDB];
	_ =	sdelay $0x1  }
0x99: {  	s20 =	simm.s32 $_scs_section_size  }
0x9a: {  	s4 =	simm.s32 $_size__tile_overlayer_lowered;
	s5 =	simm.s32 $_tile_overlayer_lowered  }
0x9b: {  	s6 =	simm.s32 $0x1BFF;
	s21 =	sshll.u32 s5, $0x1;
	s3 =	sadd.s32 s20, s19  }
0x9c: {  	s22 =	simm.s32 $0x0;
	s4 =	sshll.u32 s4, $0x1;
	s5 =	sadd.s32 s21, s3  }
0x9d: {  	[timem:s22], [sflag:s6] =	dma.local [hbm:s5], s4  }
0x9e: {  	_ =	swait.ge [sflag:s6], s4  }
0x9f: {  	s4 =	ssub.s32 $0x0, s4;
	[sflag:s6] =	ssyncset.done $0x0  }
0xa0: {  	[sflag:s6] =	ssyncadd.s32 s4;
	_ =	sdelay $0x1  }
0xa1: {  	s23 =	simm.s32 $0x1B8B  }
0xa2: {  	_ =	swait.ge [sflag:s23], $0x1  }
0xa3: {  	[sflag:s23] =	ssyncset.done $0x0  }
0xa4: {  	[sflag:s23] =	ssyncadd.s32 $0xFFFFFFFF  }
0xa5: {  	s4 =	sld [smem:$0x0]  }
0xa6: {  	s5 =	sand.u32 $0xFFFFFFFE, s1  }
0xa7: {  	p0 =	sne.s32 s1, s5  }
0xa8: {  	s5 =	sshll.u32 @p0 s5, $0xE  }
0xa9: {  	s5 =	sadd.s32 @p0 $0x11B8D, s5;
	s6 =	sshll.u32 @p0 s4, $0x11  }
0xaa: {  	s5 =	sor.u32 @p0 s6, s5  }
0xab: {  	[sflag:s5] =	ssyncadd.remote.s32 @p0 $0x1;
	_ =	sdelay $0x1  }
0xac: {  	s5 =	simm.s32 @p0 $0x1B8D  }
0xad: {  	_ =	swait.eq @p0 [sflag:s5], $0x1  }
0xae: {  	[sflag:s5] =	ssyncadd.s32 @p0 $0xFFFFFFFF  }
0xaf: {  	s6 =	sshll.u32 @!p0 s1, $0xE  }
0xb0: {  	s6 =	sor.u32 @!p0 $0x4000, s6;
	s5 =	simm.s32 @!p0 $0x1B8D  }
0xb1: {  	s4 =	sshll.u32 @!p0 s4, $0x11;
	s6 =	sadd.s32 @!p0 $0x11B8D, s6;
	_ =	swait.eq @!p0 [sflag:s5], $0x1  }
0xb2: {  	s4 =	sor.u32 @!p0 s4, s6;
	[sflag:s5] =	ssyncadd.s32 @!p0 $0xFFFFFFFF  }
0xb3: {  	s25 =	simm.s32 $0x1B8E;
	s24 =	sld [smem:$0x3FFE];
	[sflag:s4] =	ssyncadd.remote.s32 @!p0 $0x1  }
0xb4: {  	s26 =	simm.s32 $execute0_lowered;
	[smem:$0x3FD2] =	sst s25  }
0xb5: {  	s5 =	sshll.u32 s26, $0x1;
	_ =	strace $0x8000004F;
	[dreg:$0x1] =	wrdreg $0xFFFFFFFF  }
0xb6: {  	s28 =	simm.s32 $_size_execute0_lowered;
	s3 =	sadd.s32 s3, s5;
	[dreg:$0x0] =	wrdreg $0x0  }
0xb7: {  	s5 =	sshll.u32 s28, $0x1;
	[dreg:$0x2] =	wrdreg s3  }
0xb8: {  	[dreg:$0x3] =	wrdreg s5  }
0xb9: {  	[dreg:$0x4] =	wrdreg $0xC0  }
0xba: {  	_ =	task [dreg:s22], $0x5FFFF  }
0xbb: {  	[dreg:$0x1] =	wrdreg $0xFFFFFFFF  }
0xbc: {  	[dreg:$0x0] =	wrdreg $0x60  }
0xbd: {  	[dreg:$0x2] =	wrdreg s24  }
0xbe: {  	[dreg:$0x3] =	wrdreg $0x9  }
0xbf: {  	_ =	task.clear_ibuf [dreg:s22], $0x4FFFF;
	_ =	strace $0x9000004F  }
0xc0: {  	s29 =	simm.s32 $0x9;
	_ =	strace $0x80000051  }
0xc1: {  	_ =	swait.ge [sflag:s29], $0x1  }
0xc2: {  	[sflag:s29] =	ssyncadd.s32 $0xFFFFFFFF  }
0xc3: {  	_ =	strace $0x90000051  }
0xc4: {  	_ =	sfence  }
0xc5: {  	s30 =	sld [smem:$0x0];
	_ =	sdelay $0x2  }
0xc6: {  	s31 =	sshll.u32 s1, $0xD;
	s1 =	sshrl.u32 s1, $0x2  }
0xc7: {  	s4 =	sand.u32 $0x4000, s31;
	s1 =	sadd.s32 s1, s30  }
0xc8: {  	s0 =	sor.u32 s4, s0;
	s1 =	sshll.u32 s1, $0x11  }
0xc9: {  	s0 =	sor.u32 s1, s0  }
0xca: {  	s0 =	sadd.s32 $0x8F2B, s0  }
0xcb: {  	[sflag:s0] =	ssyncadd.remote.s32 $0x1  }
0xcc: {  	_ =	sfence.sel $0xFFFF  }
0xcd: {  	[dreg:$0x0] =	wrdreg $0xFFFFFFFF;
	(pc) =	sbr.abs _section_cstart, $3  }
0xce: {  	[dreg:$0x1] =	wrdreg $0xFFFFFFFF  }
0xcf: {  	_ =	task.clear_ibuf [dreg:s22], $0x2FFFF;
	_ =	strace $0x9FFFFFFF  }
0xd0: {  	(tm) =	ssettm $0x7FFFFFFF  }
0xd1: {  	_ =	shalt  }
tec
execute0_lowered:
.L_overlay_start_1:
0x0: {  	(tag) =	ssettag $0x1  }
0x1: {  	s3 =	rddreg [dreg:$0x0];
	s2 =	srdreg.scid  }
0x2: {  	s0 =	rddreg [dreg:$0x1];
	s1 =	stileid.u32;
	s8 =	simm.s32 $0x0  }
0x3: {  	s4 =	sand.u32 $0x1, s2;
	s2 =	simm.s32 $0x0;
	s5 =	sshll.u32 s1, $0x9  }
0x4: {  	s6 =	sshll.u32 s4, $0x8;
	[smem:$0x7FF] =	sst s2;
	s4 =	ssub.s32 $0x2, s4  }
0x5: {  	s5 =	sor.u32 s6, s5;
	_ =	strace $0x80000050;
	s7 =	sshrl.u32 s4, $0x1  }
0x6: {  	s6 =	sshrl.u32 s5, $0x1;
	s5 =	sadd.s32 s5, s3;
	s7 =	ssub.s32 s4, s7  }
0x7: {  	s6 =	sadd.s32 s6, s3;
	s3 =	sadd.s32 $0x7200, s5;
	s5 =	smax.u32 s7, $0x1  }
0x8: {  	v0 =	vimm.f32 $1.000000000e+00;
	v1 =	vimm.f32 $0.0e+00;
	s7 =	simm.s32 $0x800;
	s4 =	sadd.s32 $0x9200, s6;
	s6 =	simm.s32 $0x1  }
.LBB2_1:
0x9: {  	[tilespmem:s2], [sflag:$0x1] =	stream.linear.gather [hbm4b:s3+s2], $0x800, $0x38;
	[tilespmem:$0xC00] =	vst v63  }
0xa: {  	s10 =	simm.s32 $0x0;
	_ =	swait.ge [sflag:s6], $0x800  }
0xb: {  	s9 =	sand.u32 $0x70, s2;
	s10 =	sand.u32 $0x3FFFFC00, s10;
	[sflag:s6] =	ssyncset.done $0x0  }
0xc: {  	s10 =	sor.u32 s9, s10;
	[sflag:s6] =	ssyncadd.s32 $0xFFFFF800  }
0xd: {  	v2 =	vld [tilespmem:s10+$0x80];
	_ =	sdelay $0x2  }
0xe: {  	v3 =	vld [tilespmem:s10+$0x0];
	_ =	sdelay $0x1  }
0xf: {  	v4 =	vld [tilespmem:s10+$0x100];
	vm0 =	vlt.f32 v2, $-Inf;
	vm1 =	vgt.f32 v2, $-Inf  }
0x10: {  	vm0 =	vmor vm1, vm0  }
0x11: {  	vm2 =	vmneg vm0  }
0x12: {  	v6 =	vld [tilespmem:s10+$0x180];
	vm0 =	vgt.f32 v2, v3;
	v5 =	vsel vm2, $0xFF800000, v2  }
0x13: {  	v5 =	vsel vm0, v3, v5  }
0x14: {  	v2 =	vsel vm0, v2, v3;
	vm3 =	vgt.f32 v4, v5  }
0x15: {  	v54 =	vld [tilespmem:s10+$0x200];
	vm1 =	vgt.f32 v4, v2;
	v3 =	vsel vm3, v4, v5  }
0x16: {  	v3 =	vsel vm1, v2, v3  }
0x17: {  	v2 =	vsel vm1, v4, v2;
	vm5 =	vgt.f32 v6, v3  }
0x18: {  	v55 =	vld [tilespmem:s10+$0x280];
	vm4 =	vgt.f32 v6, v2;
	v3 =	vsel vm5, v6, v3  }
0x19: {  	v3 =	vsel vm4, v2, v3  }
0x1a: {  	v2 =	vsel vm4, v6, v2;
	vm7 =	vgt.f32 v54, v3  }
0x1b: {  	v56 =	vld [tilespmem:s10+$0x300];
	vm6 =	vgt.f32 v54, v2;
	v3 =	vsel vm7, v54, v3  }
0x1c: {  	v3 =	vsel vm6, v2, v3  }
0x1d: {  	v2 =	vsel vm6, v54, v2;
	vm9 =	vgt.f32 v55, v3  }
0x1e: {  	v57 =	vld [tilespmem:s10+$0x380];
	vm8 =	vgt.f32 v55, v2;
	v3 =	vsel vm9, v55, v3  }
0x1f: {  	v3 =	vsel vm8, v2, v3  }
0x20: {  	v2 =	vsel vm8, v55, v2;
	vm12 =	vgt.f32 v56, v3  }
0x21: {  	vm11 =	vgt.f32 v56, v2;
	v3 =	vsel vm12, v56, v3  }
0x22: {  	v3 =	vsel vm11, v2, v3  }
0x23: {  	v2 =	vsel vm11, v56, v2;
	vm13 =	vgt.f32 v57, v3  }
0x24: {  	vm10 =	vgt.f32 v57, v2;
	v3 =	vsel vm13, v57, v3  }
0x25: {  	v3 =	vsel vm10, v2, v3;
	v2 =	vsel vm10, v57, v2  }
0x26: {  	v2 =	vsub.f32 v3, v2;
	_ =	sdelay $0x1  }
0x27: {  	v2 =	vmul.f32 $1.442695020e+00, v2;
	_ =	sdelay $0x1  }
0x28: {  	(erf) = vpow2.f32 v2;
	_ =	sdelay $0x8  }
0x29: {  	vm2 =	vmor vm0, vm2;
	v2 =	vpop (erf)  }
0x2a: {  	v3 =	vsel vm2, $0x0, v0;
	v58 =	vadd.f32 $1.000000000e+00, v2  }
0x2b: {  	v59 =	vsel vm0, $0x3F800000, v1;
	v3 =	vsel vm3, $0x40000000, v3  }
0x2c: {  	v3 =	vsel vm1, v59, v3;
	(erf) = vrcp.f32 v58  }
0x2d: {  	v60 =	vsel vm1, $0x40000000, v59;
	v3 =	vsel vm5, $0x40400000, v3  }
0x2e: {  	v3 =	vsel vm4, v60, v3  }
0x2f: {  	v4 =	vsel vm4, $0x40400000, v60;
	v3 =	vsel vm7, $0x40800000, v3  }
0x30: {  	v3 =	vsel vm6, v4, v3  }
0x31: {  	v4 =	vsel vm6, $0x40800000, v4;
	v3 =	vsel vm9, $0x40A00000, v3  }
0x32: {  	v3 =	vsel vm8, v4, v3  }
0x33: {  	s31 =	simm.s32 $0x0;
	v4 =	vsel vm8, $0x40A00000, v4;
	v3 =	vsel vm12, $0x40C00000, v3  }
0x34: {  	s10 =	sand.u32 $0x3FFFFE00, s31;
	v3 =	vsel vm11, v4, v3;
	v4 =	vsel vm11, $0x40C00000, v4  }
0x35: {  	s13 =	sor.u32 s9, s10;
	v3 =	vsel vm13, $0x40E00000, v3;
	v61 =	vsel vm10, $0x40E00000, v4;
	v62 =	vpop (erf)  }
0x36: {  	v3 =	vsel vm10, v4, v3;
	[tilespmem:s13+$0x800] =	vst v61;
	v63 =	vmul.f32 v62, v2  }
0x37: {  	s14 =	simm.s32 $0x80;
	s11 =	simm.s32 $0x10;
	s12 =	simm.s32 $0x2;
	[tilespmem:s13+$0x880] =	vst v3  }
0x38: {  	s14 =	sand.u32 $0x3FFFFC00, s14;
	s9 =	simm.s32 $0x1;
	s10 =	sand.u32 $0x70, s11;
	v2 =	vsub.f32 $1.000000000e+00, v63;
	[tilespmem:s13+$0x980] =	vst v63  }
.LBB2_2:
0x39: {  	p0 =	sne.s32 s12, $0xF  }
0x3a: {  	s14 =	sor.u32 s10, s14;
	[tilespmem:s13+$0x900] =	vst v2;
	s13 =	smov.u32 s12;
	s12 =	sadd.s32 $0x1, s12  }
0x3b: {  	v2 =	vld [tilespmem:s14+$0x80];
	_ =	sdelay $0x2  }
0x3c: {  	v3 =	vld [tilespmem:s14+$0x0];
	_ =	sdelay $0x1  }
0x3d: {  	vm0 =	vlt.f32 v2, $-Inf;
	vm1 =	vgt.f32 v2, $-Inf;
	v4 =	vld [tilespmem:s14+$0x100]  }
0x3e: {  	vm0 =	vmor vm1, vm0  }
0x3f: {  	vm0 =	vmneg vm0  }
0x40: {  	vm1 =	vgt.f32 v2, v3;
	v5 =	vsel vm0, $0xFF800000, v2;
	v6 =	vld [tilespmem:s14+$0x180]  }
0x41: {  	v5 =	vsel vm1, v3, v5;
	vm0 =	vmor vm1, vm0;
	v2 =	vsel vm1, v2, v3  }
0x42: {  	v7 =	vsel vm1, $0x3F800000, v1;
	v3 =	vsel vm0, $0x0, v0;
	vm0 =	vgt.f32 v4, v5  }
0x43: {  	vm1 =	vgt.f32 v4, v2;
	v5 =	vsel vm0, v4, v5;
	v3 =	vsel vm0, $0x40000000, v3;
	v8 =	vld [tilespmem:s14+$0x200]  }
0x44: {  	v5 =	vsel vm1, v2, v5;
	v3 =	vsel vm1, v7, v3;
	v2 =	vsel vm1, v4, v2  }
0x45: {  	v4 =	vsel vm1, $0x40000000, v7;
	vm0 =	vgt.f32 v6, v5  }
0x46: {  	vm1 =	vgt.f32 v6, v2;
	v5 =	vsel vm0, v6, v5;
	v3 =	vsel vm0, $0x40400000, v3;
	v7 =	vld [tilespmem:s14+$0x280]  }
0x47: {  	v5 =	vsel vm1, v2, v5;
	v3 =	vsel vm1, v4, v3;
	v4 =	vsel vm1, $0x40400000, v4  }
0x48: {  	v2 =	vsel vm1, v6, v2;
	vm0 =	vgt.f32 v8, v5  }
0x49: {  	vm1 =	vgt.f32 v8, v2;
	v5 =	vsel vm0, v8, v5;
	v3 =	vsel vm0, $0x40800000, v3;
	v6 =	vld [tilespmem:s14+$0x300]  }
0x4a: {  	v5 =	vsel vm1, v2, v5;
	v3 =	vsel vm1, v4, v3  }
0x4b: {  	v2 =	vsel vm1, v8, v2;
	v4 =	vsel vm1, $0x40800000, v4;
	vm0 =	vgt.f32 v7, v5  }
0x4c: {  	vm1 =	vgt.f32 v7, v2;
	v5 =	vsel vm0, v7, v5;
	v3 =	vsel vm0, $0x40A00000, v3;
	v8 =	vld [tilespmem:s14+$0x380]  }
0x4d: {  	v5 =	vsel vm1, v2, v5;
	v3 =	vsel vm1, v4, v3;
	v4 =	vsel vm1, $0x40A00000, v4  }
0x4e: {  	v2 =	vsel vm1, v7, v2;
	vm0 =	vgt.f32 v6, v5  }
0x4f: {  	vm1 =	vgt.f32 v6, v2;
	v5 =	vsel vm0, v6, v5;
	v3 =	vsel vm0, $0x40C00000, v3  }
0x50: {  	v5 =	vsel vm1, v2, v5;
	v3 =	vsel vm1, v4, v3;
	v4 =	vsel vm1, $0x40C00000, v4  }
0x51: {  	s14 =	sshll.u32 s9, $0x6;
	s9 =	smov.u32 s13;
	v2 =	vsel vm1, v6, v2;
	vm0 =	vgt.f32 v8, v5  }
0x52: {  	s13 =	sand.u32 $0x3FFFFE00, s14;
	vm1 =	vgt.f32 v8, v2;
	v5 =	vsel vm0, v8, v5;
	v3 =	vsel vm0, $0x40E00000, v3  }
0x53: {  	s13 =	sor.u32 s10, s13;
	v6 =	vsel vm1, $0x40E00000, v4;
	v5 =	vsel vm1, v2, v5;
	v2 =	vsel vm1, v8, v2  }
0x54: {  	v3 =	vsel vm1, v4, v3;
	v2 =	vsub.f32 v5, v2;
	[tilespmem:s13+$0x800] =	vst v6  }
0x55: {  	[tilespmem:s13+$0x880] =	vst v3  }
0x56: {  	v2 =	vmul.f32 $1.442695020e+00, v2;
	_ =	sdelay $0x1  }
0x57: {  	(erf) = vpow2.f32 v2;
	_ =	sdelay $0x8  }
0x58: {  	v2 =	vpop (erf)  }
0x59: {  	v3 =	vadd.f32 $1.000000000e+00, v2;
	_ =	sdelay $0x1  }
0x5a: {  	(erf) = vrcp.f32 v3;
	_ =	sdelay $0x8  }
.Ltmp0:
0x5b: {  	v3 =	vpop (erf);
	(pc) =	sbr.rel @p0 .LBB2_2-.Ltmp0, $3  }
0x5c: {  	v3 =	vmul.f32 v3, v2;
	_ =	sdelay $0x1  }
0x5d: {  	s11 =	sadd.s32 $0x10, s11;
	s14 =	sshll.u32 s9, $0x7;
	v2 =	vsub.f32 $1.000000000e+00, v3;
	[tilespmem:s13+$0x980] =	vst v3  }
0x5e: {  	s10 =	sand.u32 $0x70, s11;
	s14 =	sand.u32 $0x3FFFFC00, s14  }
0x5f: {  	s11 =	sor.u32 s10, s14;
	[tilespmem:s13+$0x900] =	vst v2  }
0x60: {  	v2 =	vld [tilespmem:s11+$0x80];
	_ =	sdelay $0x2  }
0x61: {  	v3 =	vld [tilespmem:s11+$0x0];
	_ =	sdelay $0x1  }
0x62: {  	v4 =	vld [tilespmem:s11+$0x100];
	vm0 =	vlt.f32 v2, $-Inf;
	vm1 =	vgt.f32 v2, $-Inf  }
0x63: {  	vm0 =	vmor vm1, vm0  }
0x64: {  	vm1 =	vmneg vm0  }
0x65: {  	v6 =	vld [tilespmem:s11+$0x180];
	vm0 =	vgt.f32 v2, v3;
	v5 =	vsel vm1, $0xFF800000, v2  }
0x66: {  	v5 =	vsel vm0, v3, v5  }
0x67: {  	v2 =	vsel vm0, v2, v3;
	vm3 =	vgt.f32 v4, v5  }
0x68: {  	v55 =	vld [tilespmem:s11+$0x200];
	vm2 =	vgt.f32 v4, v2;
	v3 =	vsel vm3, v4, v5  }
0x69: {  	v3 =	vsel vm2, v2, v3  }
0x6a: {  	v2 =	vsel vm2, v4, v2;
	vm5 =	vgt.f32 v6, v3  }
0x6b: {  	v56 =	vld [tilespmem:s11+$0x280];
	vm4 =	vgt.f32 v6, v2;
	v3 =	vsel vm5, v6, v3  }
0x6c: {  	v3 =	vsel vm4, v2, v3  }
0x6d: {  	v2 =	vsel vm4, v6, v2;
	vm7 =	vgt.f32 v55, v3  }
0x6e: {  	v57 =	vld [tilespmem:s11+$0x300];
	vm6 =	vgt.f32 v55, v2;
	v3 =	vsel vm7, v55, v3  }
0x6f: {  	v3 =	vsel vm6, v2, v3  }
0x70: {  	v2 =	vsel vm6, v55, v2;
	vm10 =	vgt.f32 v56, v3  }
0x71: {  	v58 =	vld [tilespmem:s11+$0x380];
	vm8 =	vgt.f32 v56, v2;
	v3 =	vsel vm10, v56, v3  }
0x72: {  	v3 =	vsel vm8, v2, v3  }
0x73: {  	v2 =	vsel vm8, v56, v2;
	vm12 =	vgt.f32 v57, v3  }
0x74: {  	vm11 =	vgt.f32 v57, v2;
	v3 =	vsel vm12, v57, v3  }
0x75: {  	v3 =	vsel vm11, v2, v3  }
0x76: {  	v2 =	vsel vm11, v57, v2;
	vm13 =	vgt.f32 v58, v3  }
0x77: {  	vm9 =	vgt.f32 v58, v2;
	v3 =	vsel vm13, v58, v3  }
0x78: {  	v3 =	vsel vm9, v2, v3;
	v2 =	vsel vm9, v58, v2  }
0x79: {  	v2 =	vsub.f32 v3, v2;
	_ =	sdelay $0x1  }
0x7a: {  	v2 =	vmul.f32 $1.442695020e+00, v2;
	_ =	sdelay $0x1  }
0x7b: {  	(erf) = vpow2.f32 v2;
	_ =	sdelay $0x8  }
0x7c: {  	v2 =	vpop (erf)  }
0x7d: {  	vm1 =	vmor vm0, vm1;
	v3 =	vadd.f32 $1.000000000e+00, v2  }
0x7e: {  	v59 =	vsel vm1, $0x0, v0  }
0x7f: {  	v60 =	vsel vm0, $0x3F800000, v1;
	v4 =	vsel vm3, $0x40000000, v59;
	(erf) = vrcp.f32 v3  }
0x80: {  	v3 =	vsel vm2, v60, v4  }
0x81: {  	v61 =	vsel vm2, $0x40000000, v60;
	v3 =	vsel vm5, $0x40400000, v3  }
0x82: {  	v3 =	vsel vm4, v61, v3  }
0x83: {  	v4 =	vsel vm4, $0x40400000, v61;
	v3 =	vsel vm7, $0x40800000, v3  }
0x84: {  	v3 =	vsel vm6, v4, v3  }
0x85: {  	v4 =	vsel vm6, $0x40800000, v4;
	v3 =	vsel vm10, $0x40A00000, v3  }
0x86: {  	v3 =	vsel vm8, v4, v3  }
0x87: {  	s9 =	sshll.u32 s9, $0x6;
	v4 =	vsel vm8, $0x40A00000, v4;
	v3 =	vsel vm12, $0x40C00000, v3  }
0x88: {  	s9 =	sand.u32 $0x3FFFFE00, s9;
	v3 =	vsel vm11, v4, v3;
	v4 =	vsel vm11, $0x40C00000, v4;
	v62 =	vpop (erf)  }
0x89: {  	s9 =	sor.u32 s10, s9;
	v3 =	vsel vm13, $0x40E00000, v3;
	v63 =	vsel vm9, $0x40E00000, v4;
	v2 =	vmul.f32 v62, v2  }
0x8a: {  	v3 =	vsel vm9, v4, v3;
	[tilespmem:s9+$0x800] =	vst v63  }
0x8b: {  	s8 =	sadd.s32 $0x1, s8;
	[tilespmem:s9+$0x880] =	vst v3;
	v3 =	vsub.f32 $1.000000000e+00, v2  }
0x8c: {  	p0 =	sne.s32 s8, s5;
	[tilespmem:s9+$0x980] =	vst v2  }
.Ltmp1:
0x8d: {  	[tilespmem:s9+$0x900] =	vst v3;
	(pc) =	sbr.rel @p0 .LBB2_1-.Ltmp1, $4  }
0x8e: {  	[hbm4b:s4+s2] =	stream.linear.scatter [tilespmem:s7], [sflag:$0x1], $0x400, $0x38;
	[tilespmem:$0xC00] =	vst v63  }
0x8f: {  	_ =	swait.ge [sflag:s6], $0x400  }
0x90: {  	[sflag:s6] =	ssyncset.done $0x0  }
0x91: {  	[sflag:s6] =	ssyncadd.s32 $0xFFFFFC00  }
0x92: {  	_ =	sfence.sel $0x180000  }
0x93: {  	[bflag:$0x0] =	sbarrier.arrive $0xFFFF  }
0x94: {  	p0 =	sne.s32 s1, $0x0;
	_ =	strace $0x90000050  }
0x95: {  	s0 =	sadd.s32 @!p0 $0x100000, s0;
	[bflag:$0x2] =	sbarrier.arrive $0xFFFF  }
0x96: {  	[sflag:s0] =	ssyncadd.tile.s32 @!p0 $0x1;
	_ =	shalt  }
.Lfunc_end2:
_tile_overlayer_lowered:
.L_overlay_start_2:
0x97: {  	(tag) =	ssettag $0x2  }
0x98: {  	s0 =	rddreg [dreg:$0x0];
	s2 =	stileid.u32  }
0x99: {  	s1 =	rddreg [dreg:$0x1];
	p0 =	sne.s32 s2, $0x0  }
0x9a: {  	s3 =	rddreg [dreg:$0x2];
	[bflag:$0x3] =	sbarrier.arrive $0xFFFF;
	s2 =	simm.s32 @!p0 $0x1C01  }
0x9b: {  	[timem:s3], [sflag:s2] =	dma.local @!p0 [hbm:s0], s1  }
0x9c: {  	s0 =	simm.s32 @!p0 $0x1  }
0x9d: {  	_ =	swait.ge @!p0 [sflag:s0], s1  }
0x9e: {  	s1 =	ssub.s32 @!p0 $0x0, s1;
	[sflag:s0] =	ssyncset.done @!p0 $0x0  }
0x9f: {  	[sflag:s0] =	ssyncadd.s32 @!p0 s1  }
0xa0: {  	[bflag:$0x3] =	sbarrier.arrive $0xFFFF  }
0xa1: {  	_ =	shalt  }

// kernel: kernel.13.cloned.1.call-start
scs
__scs_entry_jumppad:
0x0: {  	(pc) =	sbr.rel $0x88, $3  }
0x1: {  	(tag) =	ssettag $0x0;
	lr =	simm.s32 $0x1  }
0x2: {  	[smem:$0x3F9F] =	sst lr;
	_ =	strace $0xD0000000  }
0x3: {  	_ = 	snop  }
0x4: {  	_ = 	snop  }
0x5: {  	_ = 	snop  }
0x6: {  	_ = 	snop  }
0x7: {  	_ = 	snop  }
__scs_overlays_trampoline_lowered:
0x8: {  	[smem:$0x3FAE] =	sst s0  }
0x9: {  	[smem:$0x3FAF] =	sst s1  }
0xa: {  	[smem:$0x3FB0] =	sst s2  }
0xb: {  	[smem:$0x3FB1] =	sst s3  }
0xc: {  	[smem:$0x3FB2] =	sst s4  }
0xd: {  	[smem:$0x3FB3] =	sst s5  }
0xe: {  	[smem:$0x3FB4] =	sst s6  }
0xf: {  	[smem:$0x3FB5] =	sst s7  }
0x10: {  	[smem:$0x3FB6] =	sst s8  }
0x11: {  	[smem:$0x3FB7] =	sst s9;
	s0 =	simm.s32 @!p0 $0x0  }
0x12: {  	s1 =	sld [smem:$0x3F9D];
	s0 =	simm.s32 @p0 $0x1  }
0x13: {  	[smem:$0x3FB8] =	sst s0;
	s0 =	simm.s32 @!p1 $0x0  }
0x14: {  	s2 =	sld [smem:$0x3F9C];
	s0 =	simm.s32 @p1 $0x1  }
0x15: {  	[smem:$0x3FB9] =	sst s0;
	s0 =	simm.s32 @!p2 $0x0  }
0x16: {  	s3 =	sld [smem:$0x3FDB];
	s0 =	simm.s32 @p2 $0x1  }
0x17: {  	s4 =	simm.s32 $0x1BF5;
	[smem:$0x3FBB] =	sst s0  }
0x18: {  	s0 =	sld [smem:$0x3F9E];
	_ =	swait.ge [sflag:s4], $0x0  }
0x19: {  	s7 =	sld [smem:$0x3F9F]  }
0x1a: {  	s8 =	sadd.s32 $0xFFFFE003, lr  }
0x1b: {  	s9 =	sadd.s32 $0xFFFFFEF7, lr;
	s5 =	simm.s32 $0xFFFFFFFF;
	p2 =	slt.u32 s8, $0xFFFFF086  }
0x1c: {  	p1 =	slt.u32 s9, $0xF7A;
	s5 =	simm.s32 @!p2 $0x0  }
0x1d: {  	s5 =	simm.s32 @p1 $0x1;
	p0 =	seq.s32 s7, s2  }
0x1e: {  	s7 =	smul.u32 @!p0 $0xF7A, s2;
	p2 =	seq.s32 @!p0 s5, $0x0  }
0x1f: {  	s9 =	smul.u32 $0xF7A, s1;
	s8 =	simm.s32 @!p0 $0x1BF5;
	p2 =	por !p2, p0  }
0x20: {  	[sflag:s8] =	ssyncset.s32 @!p0 $0xFFFFF086;
	s6 =	sadd.s32 @!p0 s3, s7;
	s7 =	simm.s32 @!p0 $0x108  }
0x21: {  	s3 =	sadd.s32 s3, s9;
	s6 =	sadd.s32 @!p0 $0x88, s6;
	s7 =	simm.s32 @p2 $0x1082  }
0x22: {  	[simem:s7], [sflag:s8] =	dma.local @!p0 [hbm:s6], $0xF7A  }
0x23: {  	s9 =	sor.u32 $0xD0000000, s2;
	s6 =	simm.s32 $0x108;
	_ =	swait.ge @!p0 [sflag:s8], $0x0  }
0x24: {  	s3 =	sadd.s32 $0x88, s3;
	s6 =	simm.s32 @!p1 $0x1082;
	[sflag:s4] =	ssyncset.s32 $0xFFFFF086  }
0x25: {  	[simem:s6], [sflag:s4] =	dma.local [hbm:s3], $0xF7A  }
0x26: {  	[smem:$0x3F9F] =	sst s1;
	(tag) =	ssettag s2;
	_ =	strace s9  }
0x27: {  	s1 =	sld [smem:$0x3FAF]  }
0x28: {  	s2 =	sld [smem:$0x3FB0]  }
0x29: {  	s4 =	sld [smem:$0x3FB2]  }
0x2a: {  	p0 =	seq.s32 s5, $0x0;
	s5 =	sld [smem:$0x3FB3]  }
0x2b: {  	s6 =	sld [smem:$0x3FB4]  }
0x2c: {  	s7 =	sld [smem:$0x3FB5]  }
0x2d: {  	s3 =	simm.s32 $0x108;
	s8 =	sld [smem:$0x3FB6]  }
0x2e: {  	s3 =	simm.s32 @!p0 $0x1082;
	s9 =	sld [smem:$0x3FB7]  }
0x2f: {  	lr =	sadd.s32 s0, s3;
	s0 =	sld [smem:$0x3FAE]  }
0x30: {  	s3 =	sld [smem:$0x3FB1]  }
0x31: {  	[smem:$0x3FBA] =	sst s10  }
0x32: {  	s10 =	sld [smem:$0x3FB8];
	_ =	sdelay $0x3  }
0x33: {  	p0 =	seq.s32 s10, $0x1;
	s10 =	sld [smem:$0x3FBA];
	_ =	sdelay $0x3  }
0x34: {  	[smem:$0x3FBA] =	sst s10  }
0x35: {  	s10 =	sld [smem:$0x3FB9];
	_ =	sdelay $0x3  }
0x36: {  	p1 =	seq.s32 s10, $0x1;
	s10 =	sld [smem:$0x3FBA];
	_ =	sdelay $0x3  }
0x37: {  	[smem:$0x3FBA] =	sst s10  }
0x38: {  	s10 =	sld [smem:$0x3FBB]  }
0x39: {  	_ = 	snop;
	(pc) =	sbr.ind lr, $3  }
0x3a: {  	_ = 	snop  }
0x3b: {  	_ = 	snop  }
0x3c: {  	p2 =	seq.s32 s10, $0x1;
	s10 =	sld [smem:$0x3FBA]  }
0x3d: {  	_ =	shalt  }
0x3e: {  	_ =	shalt  }
0x3f: {  	_ =	shalt  }
0x40: {  	_ =	shalt  }
0x41: {  	_ =	shalt  }
0x42: {  	_ =	shalt  }
0x43: {  	_ =	shalt  }
0x44: {  	_ =	shalt  }
0x45: {  	_ =	shalt  }
0x46: {  	_ =	shalt  }
0x47: {  	_ =	shalt  }
0x48: {  	_ =	shalt  }
0x49: {  	_ =	shalt  }
0x4a: {  	_ =	shalt  }
0x4b: {  	_ =	shalt  }
0x4c: {  	_ =	shalt  }
0x4d: {  	_ =	shalt  }
0x4e: {  	_ =	shalt  }
0x4f: {  	_ =	shalt  }
0x50: {  	_ =	shalt  }
0x51: {  	_ =	shalt  }
0x52: {  	_ =	shalt  }
0x53: {  	_ =	shalt  }
0x54: {  	_ =	shalt  }
0x55: {  	_ =	shalt  }
0x56: {  	_ =	shalt  }
0x57: {  	_ =	shalt  }
0x58: {  	_ =	shalt  }
0x59: {  	_ =	shalt  }
0x5a: {  	_ =	shalt  }
0x5b: {  	_ =	shalt  }
0x5c: {  	_ =	shalt  }
0x5d: {  	_ =	shalt  }
0x5e: {  	_ =	shalt  }
0x5f: {  	_ =	shalt  }
0x60: {  	_ =	shalt  }
0x61: {  	_ =	shalt  }
0x62: {  	_ =	shalt  }
0x63: {  	_ =	shalt  }
0x64: {  	_ =	shalt  }
0x65: {  	_ =	shalt  }
0x66: {  	_ =	shalt  }
0x67: {  	_ =	shalt  }
0x68: {  	_ =	shalt  }
0x69: {  	_ =	shalt  }
0x6a: {  	_ =	shalt  }
0x6b: {  	_ =	shalt  }
0x6c: {  	_ =	shalt  }
0x6d: {  	_ =	shalt  }
0x6e: {  	_ =	shalt  }
0x6f: {  	_ =	shalt  }
0x70: {  	_ =	shalt  }
0x71: {  	_ =	shalt  }
0x72: {  	_ =	shalt  }
0x73: {  	_ =	shalt  }
0x74: {  	_ =	shalt  }
0x75: {  	_ =	shalt  }
0x76: {  	_ =	shalt  }
0x77: {  	_ =	shalt  }
0x78: {  	_ =	shalt  }
0x79: {  	_ =	shalt  }
0x7a: {  	_ =	shalt  }
0x7b: {  	_ =	shalt  }
0x7c: {  	_ =	shalt  }
0x7d: {  	_ =	shalt  }
0x7e: {  	_ =	shalt  }
0x7f: {  	_ =	shalt  }
0x80: {  	_ =	shalt  }
0x81: {  	_ =	shalt  }
0x82: {  	_ =	shalt  }
0x83: {  	_ =	shalt  }
0x84: {  	_ =	shalt  }
0x85: {  	_ =	shalt  }
0x86: {  	_ =	shalt  }
0x87: {  	_ =	shalt  }
.Lfunc_end0:
.L_simem_size_0:
called_computation.1_lowered:
.L_overlay_start_0:
0x88: {  	s2 =	sld [smem:$0x3FD9]  }
0x89: {  	s3 =	sld [smem:$0x3FFE];
	_ =	sdelay $0x1  }
0x8a: {  	s1 =	srdreg.scid  }
0x8b: {  	s0 =	sand.u32 $0x1, s1  }
0x8c: {  	s17 =	sshll.u32 s0, $0xA;
	s2 =	sadd.s32 s3, s2  }
0x8d: {  	s2 =	sadd.s32 s2, s17  }
0x8e: {  	[smem:$0x3FC6] =	sst s2  }
0x8f: {  	_ = 	snop  }
0x90: {  	(tm) =	ssettm $0x1  }
0x91: {  	s18 =	sld [smem:$0x3FFB];
	_ =	sdelay $0x3  }
0x92: {  	_ =	strace s18  }
0x93: {  	s2 =	sld [smem:$0x3FFC];
	_ =	sdelay $0x3  }
0x94: {  	_ =	strace s2  }
0x95: {  	s2 =	sld [smem:$0x3FFD];
	_ =	sdelay $0x3  }
0x96: {  	_ =	strace s2  }
0x97: {  	_ =	strace $0x8FFFFFFF  }
0x98: {  	s19 =	sld [smem:$0x3FDB];
	_ =	sdelay $0x1  }
0x99: {  	s20 =	simm.s32 $_scs_section_size  }
0x9a: {  	s4 =	simm.s32 $_size__tile_overlayer_lowered;
	s5 =	simm.s32 $_tile_overlayer_lowered  }
0x9b: {  	s6 =	simm.s32 $0x1BFF;
	s21 =	sshll.u32 s5, $0x1;
	s3 =	sadd.s32 s20, s19  }
0x9c: {  	s22 =	simm.s32 $0x0;
	s4 =	sshll.u32 s4, $0x1;
	s5 =	sadd.s32 s21, s3  }
0x9d: {  	[timem:s22], [sflag:s6] =	dma.local [hbm:s5], s4  }
0x9e: {  	_ =	swait.ge [sflag:s6], s4  }
0x9f: {  	s4 =	ssub.s32 $0x0, s4;
	[sflag:s6] =	ssyncset.done $0x0  }
0xa0: {  	[sflag:s6] =	ssyncadd.s32 s4;
	_ =	sdelay $0x1  }
0xa1: {  	s23 =	simm.s32 $0x1B8B  }
0xa2: {  	_ =	swait.ge [sflag:s23], $0x1  }
0xa3: {  	[sflag:s23] =	ssyncset.done $0x0  }
0xa4: {  	[sflag:s23] =	ssyncadd.s32 $0xFFFFFFFF  }
0xa5: {  	s4 =	sld [smem:$0x0]  }
0xa6: {  	s5 =	sand.u32 $0xFFFFFFFE, s1  }
0xa7: {  	p0 =	sne.s32 s1, s5  }
0xa8: {  	s5 =	sshll.u32 @p0 s5, $0xE  }
0xa9: {  	s5 =	sadd.s32 @p0 $0x11B8D, s5;
	s6 =	sshll.u32 @p0 s4, $0x11  }
0xaa: {  	s5 =	sor.u32 @p0 s6, s5  }
0xab: {  	[sflag:s5] =	ssyncadd.remote.s32 @p0 $0x1;
	_ =	sdelay $0x1  }
0xac: {  	s5 =	simm.s32 @p0 $0x1B8D  }
0xad: {  	_ =	swait.eq @p0 [sflag:s5], $0x1  }
0xae: {  	[sflag:s5] =	ssyncadd.s32 @p0 $0xFFFFFFFF  }
0xaf: {  	s6 =	sshll.u32 @!p0 s1, $0xE  }
0xb0: {  	s6 =	sor.u32 @!p0 $0x4000, s6;
	s5 =	simm.s32 @!p0 $0x1B8D  }
0xb1: {  	s4 =	sshll.u32 @!p0 s4, $0x11;
	s6 =	sadd.s32 @!p0 $0x11B8D, s6;
	_ =	swait.eq @!p0 [sflag:s5], $0x1  }
0xb2: {  	s4 =	sor.u32 @!p0 s4, s6;
	[sflag:s5] =	ssyncadd.s32 @!p0 $0xFFFFFFFF  }
0xb3: {  	s25 =	simm.s32 $0x1B8E;
	s24 =	sld [smem:$0x3FFE];
	[sflag:s4] =	ssyncadd.remote.s32 @!p0 $0x1  }
0xb4: {  	s26 =	simm.s32 $execute0_lowered;
	[smem:$0x3FD2] =	sst s25  }
0xb5: {  	s5 =	sshll.u32 s26, $0x1;
	_ =	strace $0x8000004C;
	[dreg:$0x1] =	wrdreg $0xFFFFFFFF  }
0xb6: {  	s28 =	simm.s32 $_size_execute0_lowered;
	s3 =	sadd.s32 s3, s5;
	[dreg:$0x0] =	wrdreg $0x0  }
0xb7: {  	s5 =	sshll.u32 s28, $0x1;
	[dreg:$0x2] =	wrdreg s3  }
0xb8: {  	[dreg:$0x3] =	wrdreg s5  }
0xb9: {  	[dreg:$0x4] =	wrdreg $0xC0  }
0xba: {  	_ =	task [dreg:s22], $0x5FFFF  }
0xbb: {  	[dreg:$0x1] =	wrdreg $0xFFFFFFFF  }
0xbc: {  	[dreg:$0x0] =	wrdreg $0x60  }
0xbd: {  	[dreg:$0x2] =	wrdreg s24  }
0xbe: {  	[dreg:$0x3] =	wrdreg $0xA  }
0xbf: {  	_ =	task.clear_ibuf [dreg:s22], $0x4FFFF;
	_ =	strace $0x9000004C  }
0xc0: {  	s29 =	simm.s32 $0xA;
	_ =	strace $0x8000004E  }
0xc1: {  	_ =	swait.ge [sflag:s29], $0x1  }
0xc2: {  	[sflag:s29] =	ssyncadd.s32 $0xFFFFFFFF  }
0xc3: {  	_ =	strace $0x9000004E  }
0xc4: {  	_ =	sfence  }
0xc5: {  	s30 =	sld [smem:$0x0];
	_ =	sdelay $0x2  }
0xc6: {  	s31 =	sshll.u32 s1, $0xD;
	s1 =	sshrl.u32 s1, $0x2  }
0xc7: {  	s4 =	sand.u32 $0x4000, s31;
	s1 =	sadd.s32 s1, s30  }
0xc8: {  	s0 =	sor.u32 s4, s0;
	s1 =	sshll.u32 s1, $0x11  }
0xc9: {  	s0 =	sor.u32 s1, s0  }
0xca: {  	s0 =	sadd.s32 $0x8F2B, s0  }
0xcb: {  	[sflag:s0] =	ssyncadd.remote.s32 $0x1  }
0xcc: {  	_ =	sfence.sel $0xFFFF  }
0xcd: {  	[dreg:$0x0] =	wrdreg $0xFFFFFFFF;
	(pc) =	sbr.abs _section_cstart, $3  }
0xce: {  	[dreg:$0x1] =	wrdreg $0xFFFFFFFF  }
0xcf: {  	_ =	task.clear_ibuf [dreg:s22], $0x2FFFF;
	_ =	strace $0x9FFFFFFF  }
0xd0: {  	(tm) =	ssettm $0x7FFFFFFF  }
0xd1: {  	_ =	shalt  }
tec
execute0_lowered:
.L_overlay_start_1:
0x0: {  	(tag) =	ssettag $0x1  }
0x1: {  	s3 =	rddreg [dreg:$0x0];
	s2 =	srdreg.scid  }
0x2: {  	s0 =	rddreg [dreg:$0x1];
	s1 =	stileid.u32;
	s8 =	simm.s32 $0x0  }
0x3: {  	s4 =	sand.u32 $0x1, s2;
	s2 =	simm.s32 $0x0;
	s5 =	sshll.u32 s1, $0x9  }
0x4: {  	s6 =	sshll.u32 s4, $0x8;
	[smem:$0x7FF] =	sst s2;
	s4 =	ssub.s32 $0x2, s4  }
0x5: {  	s5 =	sor.u32 s6, s5;
	_ =	strace $0x8000004D;
	s7 =	sshrl.u32 s4, $0x1  }
0x6: {  	s6 =	sshrl.u32 s5, $0x1;
	s5 =	sadd.s32 s5, s3;
	s7 =	ssub.s32 s4, s7  }
0x7: {  	s6 =	sadd.s32 s6, s3;
	s3 =	sadd.s32 $0x4200, s5;
	s5 =	smax.u32 s7, $0x1  }
0x8: {  	v0 =	vimm.f32 $1.000000000e+00;
	v1 =	vimm.f32 $0.0e+00;
	s7 =	simm.s32 $0x800;
	s4 =	sadd.s32 $0x6200, s6;
	s6 =	simm.s32 $0x1  }
.LBB2_1:
0x9: {  	[tilespmem:s2], [sflag:$0x1] =	stream.linear.gather [hbm4b:s3+s2], $0x800, $0x38;
	[tilespmem:$0xC00] =	vst v63  }
0xa: {  	s10 =	simm.s32 $0x0;
	_ =	swait.ge [sflag:s6], $0x800  }
0xb: {  	s9 =	sand.u32 $0x70, s2;
	s10 =	sand.u32 $0x3FFFFC00, s10;
	[sflag:s6] =	ssyncset.done $0x0  }
0xc: {  	s10 =	sor.u32 s9, s10;
	[sflag:s6] =	ssyncadd.s32 $0xFFFFF800  }
0xd: {  	v2 =	vld [tilespmem:s10+$0x80];
	_ =	sdelay $0x2  }
0xe: {  	v3 =	vld [tilespmem:s10+$0x0];
	_ =	sdelay $0x1  }
0xf: {  	v4 =	vld [tilespmem:s10+$0x100];
	vm0 =	vlt.f32 v2, $-Inf;
	vm1 =	vgt.f32 v2, $-Inf  }
0x10: {  	vm0 =	vmor vm1, vm0  }
0x11: {  	vm2 =	vmneg vm0  }
0x12: {  	v6 =	vld [tilespmem:s10+$0x180];
	vm0 =	vgt.f32 v2, v3;
	v5 =	vsel vm2, $0xFF800000, v2  }
0x13: {  	v5 =	vsel vm0, v3, v5  }
0x14: {  	v2 =	vsel vm0, v2, v3;
	vm3 =	vgt.f32 v4, v5  }
0x15: {  	v54 =	vld [tilespmem:s10+$0x200];
	vm1 =	vgt.f32 v4, v2;
	v3 =	vsel vm3, v4, v5  }
0x16: {  	v3 =	vsel vm1, v2, v3  }
0x17: {  	v2 =	vsel vm1, v4, v2;
	vm5 =	vgt.f32 v6, v3  }
0x18: {  	v55 =	vld [tilespmem:s10+$0x280];
	vm4 =	vgt.f32 v6, v2;
	v3 =	vsel vm5, v6, v3  }
0x19: {  	v3 =	vsel vm4, v2, v3  }
0x1a: {  	v2 =	vsel vm4, v6, v2;
	vm7 =	vgt.f32 v54, v3  }
0x1b: {  	v56 =	vld [tilespmem:s10+$0x300];
	vm6 =	vgt.f32 v54, v2;
	v3 =	vsel vm7, v54, v3  }
0x1c: {  	v3 =	vsel vm6, v2, v3  }
0x1d: {  	v2 =	vsel vm6, v54, v2;
	vm9 =	vgt.f32 v55, v3  }
0x1e: {  	v57 =	vld [tilespmem:s10+$0x380];
	vm8 =	vgt.f32 v55, v2;
	v3 =	vsel vm9, v55, v3  }
0x1f: {  	v3 =	vsel vm8, v2, v3  }
0x20: {  	v2 =	vsel vm8, v55, v2;
	vm12 =	vgt.f32 v56, v3  }
0x21: {  	vm11 =	vgt.f32 v56, v2;
	v3 =	vsel vm12, v56, v3  }
0x22: {  	v3 =	vsel vm11, v2, v3  }
0x23: {  	v2 =	vsel vm11, v56, v2;
	vm13 =	vgt.f32 v57, v3  }
0x24: {  	vm10 =	vgt.f32 v57, v2;
	v3 =	vsel vm13, v57, v3  }
0x25: {  	v3 =	vsel vm10, v2, v3;
	v2 =	vsel vm10, v57, v2  }
0x26: {  	v2 =	vsub.f32 v3, v2;
	_ =	sdelay $0x1  }
0x27: {  	v2 =	vmul.f32 $1.442695020e+00, v2;
	_ =	sdelay $0x1  }
0x28: {  	(erf) = vpow2.f32 v2;
	_ =	sdelay $0x8  }
0x29: {  	vm2 =	vmor vm0, vm2;
	v2 =	vpop (erf)  }
0x2a: {  	v3 =	vsel vm2, $0x0, v0;
	v58 =	vadd.f32 $1.000000000e+00, v2  }
0x2b: {  	v59 =	vsel vm0, $0x3F800000, v1;
	v3 =	vsel vm3, $0x40000000, v3  }
0x2c: {  	v3 =	vsel vm1, v59, v3;
	(erf) = vrcp.f32 v58  }
0x2d: {  	v60 =	vsel vm1, $0x40000000, v59;
	v3 =	vsel vm5, $0x40400000, v3  }
0x2e: {  	v3 =	vsel vm4, v60, v3  }
0x2f: {  	v4 =	vsel vm4, $0x40400000, v60;
	v3 =	vsel vm7, $0x40800000, v3  }
0x30: {  	v3 =	vsel vm6, v4, v3  }
0x31: {  	v4 =	vsel vm6, $0x40800000, v4;
	v3 =	vsel vm9, $0x40A00000, v3  }
0x32: {  	v3 =	vsel vm8, v4, v3  }
0x33: {  	s31 =	simm.s32 $0x0;
	v4 =	vsel vm8, $0x40A00000, v4;
	v3 =	vsel vm12, $0x40C00000, v3  }
0x34: {  	s10 =	sand.u32 $0x3FFFFE00, s31;
	v3 =	vsel vm11, v4, v3;
	v4 =	vsel vm11, $0x40C00000, v4  }
0x35: {  	s13 =	sor.u32 s9, s10;
	v3 =	vsel vm13, $0x40E00000, v3;
	v61 =	vsel vm10, $0x40E00000, v4;
	v62 =	vpop (erf)  }
0x36: {  	v3 =	vsel vm10, v4, v3;
	[tilespmem:s13+$0x800] =	vst v61;
	v63 =	vmul.f32 v62, v2  }
0x37: {  	s14 =	simm.s32 $0x80;
	s11 =	simm.s32 $0x10;
	s12 =	simm.s32 $0x2;
	[tilespmem:s13+$0x880] =	vst v3  }
0x38: {  	s14 =	sand.u32 $0x3FFFFC00, s14;
	s9 =	simm.s32 $0x1;
	s10 =	sand.u32 $0x70, s11;
	v2 =	vsub.f32 $1.000000000e+00, v63;
	[tilespmem:s13+$0x980] =	vst v63  }
.LBB2_2:
0x39: {  	p0 =	sne.s32 s12, $0xF  }
0x3a: {  	s14 =	sor.u32 s10, s14;
	[tilespmem:s13+$0x900] =	vst v2;
	s13 =	smov.u32 s12;
	s12 =	sadd.s32 $0x1, s12  }
0x3b: {  	v2 =	vld [tilespmem:s14+$0x80];
	_ =	sdelay $0x2  }
0x3c: {  	v3 =	vld [tilespmem:s14+$0x0];
	_ =	sdelay $0x1  }
0x3d: {  	vm0 =	vlt.f32 v2, $-Inf;
	vm1 =	vgt.f32 v2, $-Inf;
	v4 =	vld [tilespmem:s14+$0x100]  }
0x3e: {  	vm0 =	vmor vm1, vm0  }
0x3f: {  	vm0 =	vmneg vm0  }
0x40: {  	vm1 =	vgt.f32 v2, v3;
	v5 =	vsel vm0, $0xFF800000, v2;
	v6 =	vld [tilespmem:s14+$0x180]  }
0x41: {  	v5 =	vsel vm1, v3, v5;
	vm0 =	vmor vm1, vm0;
	v2 =	vsel vm1, v2, v3  }
0x42: {  	v7 =	vsel vm1, $0x3F800000, v1;
	v3 =	vsel vm0, $0x0, v0;
	vm0 =	vgt.f32 v4, v5  }
0x43: {  	vm1 =	vgt.f32 v4, v2;
	v5 =	vsel vm0, v4, v5;
	v3 =	vsel vm0, $0x40000000, v3;
	v8 =	vld [tilespmem:s14+$0x200]  }
0x44: {  	v5 =	vsel vm1, v2, v5;
	v3 =	vsel vm1, v7, v3;
	v2 =	vsel vm1, v4, v2  }
0x45: {  	v4 =	vsel vm1, $0x40000000, v7;
	vm0 =	vgt.f32 v6, v5  }
0x46: {  	vm1 =	vgt.f32 v6, v2;
	v5 =	vsel vm0, v6, v5;
	v3 =	vsel vm0, $0x40400000, v3;
	v7 =	vld [tilespmem:s14+$0x280]  }
0x47: {  	v5 =	vsel vm1, v2, v5;
	v3 =	vsel vm1, v4, v3;
	v4 =	vsel vm1, $0x40400000, v4  }
0x48: {  	v2 =	vsel vm1, v6, v2;
	vm0 =	vgt.f32 v8, v5  }
0x49: {  	vm1 =	vgt.f32 v8, v2;
	v5 =	vsel vm0, v8, v5;
	v3 =	vsel vm0, $0x40800000, v3;
	v6 =	vld [tilespmem:s14+$0x300]  }
0x4a: {  	v5 =	vsel vm1, v2, v5;
	v3 =	vsel vm1, v4, v3  }
0x4b: {  	v2 =	vsel vm1, v8, v2;
	v4 =	vsel vm1, $0x40800000, v4;
	vm0 =	vgt.f32 v7, v5  }
0x4c: {  	vm1 =	vgt.f32 v7, v2;
	v5 =	vsel vm0, v7, v5;
	v3 =	vsel vm0, $0x40A00000, v3;
	v8 =	vld [tilespmem:s14+$0x380]  }
0x4d: {  	v5 =	vsel vm1, v2, v5;
	v3 =	vsel vm1, v4, v3;
	v4 =	vsel vm1, $0x40A00000, v4  }
0x4e: {  	v2 =	vsel vm1, v7, v2;
	vm0 =	vgt.f32 v6, v5  }
0x4f: {  	vm1 =	vgt.f32 v6, v2;
	v5 =	vsel vm0, v6, v5;
	v3 =	vsel vm0, $0x40C00000, v3  }
0x50: {  	v5 =	vsel vm1, v2, v5;
	v3 =	vsel vm1, v4, v3;
	v4 =	vsel vm1, $0x40C00000, v4  }
0x51: {  	s14 =	sshll.u32 s9, $0x6;
	s9 =	smov.u32 s13;
	v2 =	vsel vm1, v6, v2;
	vm0 =	vgt.f32 v8, v5  }
0x52: {  	s13 =	sand.u32 $0x3FFFFE00, s14;
	vm1 =	vgt.f32 v8, v2;
	v5 =	vsel vm0, v8, v5;
	v3 =	vsel vm0, $0x40E00000, v3  }
0x53: {  	s13 =	sor.u32 s10, s13;
	v6 =	vsel vm1, $0x40E00000, v4;
	v5 =	vsel vm1, v2, v5;
	v2 =	vsel vm1, v8, v2  }
0x54: {  	v3 =	vsel vm1, v4, v3;
	v2 =	vsub.f32 v5, v2;
	[tilespmem:s13+$0x800] =	vst v6  }
0x55: {  	[tilespmem:s13+$0x880] =	vst v3  }
0x56: {  	v2 =	vmul.f32 $1.442695020e+00, v2;
	_ =	sdelay $0x1  }
0x57: {  	(erf) = vpow2.f32 v2;
	_ =	sdelay $0x8  }
0x58: {  	v2 =	vpop (erf)  }
0x59: {  	v3 =	vadd.f32 $1.000000000e+00, v2;
	_ =	sdelay $0x1  }
0x5a: {  	(erf) = vrcp.f32 v3;
	_ =	sdelay $0x8  }
.Ltmp0:
0x5b: {  	v3 =	vpop (erf);
	(pc) =	sbr.rel @p0 .LBB2_2-.Ltmp0, $3  }
0x5c: {  	v3 =	vmul.f32 v3, v2;
	_ =	sdelay $0x1  }
0x5d: {  	s11 =	sadd.s32 $0x10, s11;
	s14 =	sshll.u32 s9, $0x7;
	v2 =	vsub.f32 $1.000000000e+00, v3;
	[tilespmem:s13+$0x980] =	vst v3  }
0x5e: {  	s10 =	sand.u32 $0x70, s11;
	s14 =	sand.u32 $0x3FFFFC00, s14  }
0x5f: {  	s11 =	sor.u32 s10, s14;
	[tilespmem:s13+$0x900] =	vst v2  }
0x60: {  	v2 =	vld [tilespmem:s11+$0x80];
	_ =	sdelay $0x2  }
0x61: {  	v3 =	vld [tilespmem:s11+$0x0];
	_ =	sdelay $0x1  }
0x62: {  	v4 =	vld [tilespmem:s11+$0x100];
	vm0 =	vlt.f32 v2, $-Inf;
	vm1 =	vgt.f32 v2, $-Inf  }
0x63: {  	vm0 =	vmor vm1, vm0  }
0x64: {  	vm1 =	vmneg vm0  }
0x65: {  	v6 =	vld [tilespmem:s11+$0x180];
	vm0 =	vgt.f32 v2, v3;
	v5 =	vsel vm1, $0xFF800000, v2  }
0x66: {  	v5 =	vsel vm0, v3, v5  }
0x67: {  	v2 =	vsel vm0, v2, v3;
	vm3 =	vgt.f32 v4, v5  }
0x68: {  	v55 =	vld [tilespmem:s11+$0x200];
	vm2 =	vgt.f32 v4, v2;
	v3 =	vsel vm3, v4, v5  }
0x69: {  	v3 =	vsel vm2, v2, v3  }
0x6a: {  	v2 =	vsel vm2, v4, v2;
	vm5 =	vgt.f32 v6, v3  }
0x6b: {  	v56 =	vld [tilespmem:s11+$0x280];
	vm4 =	vgt.f32 v6, v2;
	v3 =	vsel vm5, v6, v3  }
0x6c: {  	v3 =	vsel vm4, v2, v3  }
0x6d: {  	v2 =	vsel vm4, v6, v2;
	vm7 =	vgt.f32 v55, v3  }
0x6e: {  	v57 =	vld [tilespmem:s11+$0x300];
	vm6 =	vgt.f32 v55, v2;
	v3 =	vsel vm7, v55, v3  }
0x6f: {  	v3 =	vsel vm6, v2, v3  }
0x70: {  	v2 =	vsel vm6, v55, v2;
	vm10 =	vgt.f32 v56, v3  }
0x71: {  	v58 =	vld [tilespmem:s11+$0x380];
	vm8 =	vgt.f32 v56, v2;
	v3 =	vsel vm10, v56, v3  }
0x72: {  	v3 =	vsel vm8, v2, v3  }
0x73: {  	v2 =	vsel vm8, v56, v2;
	vm12 =	vgt.f32 v57, v3  }
0x74: {  	vm11 =	vgt.f32 v57, v2;
	v3 =	vsel vm12, v57, v3  }
0x75: {  	v3 =	vsel vm11, v2, v3  }
0x76: {  	v2 =	vsel vm11, v57, v2;
	vm13 =	vgt.f32 v58, v3  }
0x77: {  	vm9 =	vgt.f32 v58, v2;
	v3 =	vsel vm13, v58, v3  }
0x78: {  	v3 =	vsel vm9, v2, v3;
	v2 =	vsel vm9, v58, v2  }
0x79: {  	v2 =	vsub.f32 v3, v2;
	_ =	sdelay $0x1  }
0x7a: {  	v2 =	vmul.f32 $1.442695020e+00, v2;
	_ =	sdelay $0x1  }
0x7b: {  	(erf) = vpow2.f32 v2;
	_ =	sdelay $0x8  }
0x7c: {  	v2 =	vpop (erf)  }
0x7d: {  	vm1 =	vmor vm0, vm1;
	v3 =	vadd.f32 $1.000000000e+00, v2  }
0x7e: {  	v59 =	vsel vm1, $0x0, v0  }
0x7f: {  	v60 =	vsel vm0, $0x3F800000, v1;
	v4 =	vsel vm3, $0x40000000, v59;
	(erf) = vrcp.f32 v3  }
0x80: {  	v3 =	vsel vm2, v60, v4  }
0x81: {  	v61 =	vsel vm2, $0x40000000, v60;
	v3 =	vsel vm5, $0x40400000, v3  }
0x82: {  	v3 =	vsel vm4, v61, v3  }
0x83: {  	v4 =	vsel vm4, $0x40400000, v61;
	v3 =	vsel vm7, $0x40800000, v3  }
0x84: {  	v3 =	vsel vm6, v4, v3  }
0x85: {  	v4 =	vsel vm6, $0x40800000, v4;
	v3 =	vsel vm10, $0x40A00000, v3  }
0x86: {  	v3 =	vsel vm8, v4, v3  }
0x87: {  	s9 =	sshll.u32 s9, $0x6;
	v4 =	vsel vm8, $0x40A00000, v4;
	v3 =	vsel vm12, $0x40C00000, v3  }
0x88: {  	s9 =	sand.u32 $0x3FFFFE00, s9;
	v3 =	vsel vm11, v4, v3;
	v4 =	vsel vm11, $0x40C00000, v4;
	v62 =	vpop (erf)  }
0x89: {  	s9 =	sor.u32 s10, s9;
	v3 =	vsel vm13, $0x40E00000, v3;
	v63 =	vsel vm9, $0x40E00000, v4;
	v2 =	vmul.f32 v62, v2  }
0x8a: {  	v3 =	vsel vm9, v4, v3;
	[tilespmem:s9+$0x800] =	vst v63  }
0x8b: {  	s8 =	sadd.s32 $0x1, s8;
	[tilespmem:s9+$0x880] =	vst v3;
	v3 =	vsub.f32 $1.000000000e+00, v2  }
0x8c: {  	p0 =	sne.s32 s8, s5;
	[tilespmem:s9+$0x980] =	vst v2  }
.Ltmp1:
0x8d: {  	[tilespmem:s9+$0x900] =	vst v3;
	(pc) =	sbr.rel @p0 .LBB2_1-.Ltmp1, $4  }
0x8e: {  	[hbm4b:s4+s2] =	stream.linear.scatter [tilespmem:s7], [sflag:$0x1], $0x400, $0x38;
	[tilespmem:$0xC00] =	vst v63  }
0x8f: {  	_ =	swait.ge [sflag:s6], $0x400  }
0x90: {  	[sflag:s6] =	ssyncset.done $0x0  }
0x91: {  	[sflag:s6] =	ssyncadd.s32 $0xFFFFFC00  }
0x92: {  	_ =	sfence.sel $0x180000  }
0x93: {  	[bflag:$0x0] =	sbarrier.arrive $0xFFFF  }
0x94: {  	p0 =	sne.s32 s1, $0x0;
	_ =	strace $0x9000004D  }
0x95: {  	s0 =	sadd.s32 @!p0 $0x100000, s0;
	[bflag:$0x2] =	sbarrier.arrive $0xFFFF  }
0x96: {  	[sflag:s0] =	ssyncadd.tile.s32 @!p0 $0x1;
	_ =	shalt  }
.Lfunc_end2:
_tile_overlayer_lowered:
.L_overlay_start_2:
0x97: {  	(tag) =	ssettag $0x2  }
0x98: {  	s0 =	rddreg [dreg:$0x0];
	s2 =	stileid.u32  }
0x99: {  	s1 =	rddreg [dreg:$0x1];
	p0 =	sne.s32 s2, $0x0  }
0x9a: {  	s3 =	rddreg [dreg:$0x2];
	[bflag:$0x3] =	sbarrier.arrive $0xFFFF;
	s2 =	simm.s32 @!p0 $0x1C01  }
0x9b: {  	[timem:s3], [sflag:s2] =	dma.local @!p0 [hbm:s0], s1  }
0x9c: {  	s0 =	simm.s32 @!p0 $0x1  }
0x9d: {  	_ =	swait.ge @!p0 [sflag:s0], s1  }
0x9e: {  	s1 =	ssub.s32 @!p0 $0x0, s1;
	[sflag:s0] =	ssyncset.done @!p0 $0x0  }
0x9f: {  	[sflag:s0] =	ssyncadd.s32 @!p0 s1  }
0xa0: {  	[bflag:$0x3] =	sbarrier.arrive $0xFFFF  }
0xa1: {  	_ =	shalt  }

// kernel: kernel.16.cloned.1.call-start
scs
__scs_entry_jumppad:
0x0: {  	(pc) =	sbr.rel $0x88, $3  }
0x1: {  	(tag) =	ssettag $0x0;
	lr =	simm.s32 $0x1  }
0x2: {  	[smem:$0x3F9F] =	sst lr;
	_ =	strace $0xD0000000  }
0x3: {  	_ = 	snop  }
0x4: {  	_ = 	snop  }
0x5: {  	_ = 	snop  }
0x6: {  	_ = 	snop  }
0x7: {  	_ = 	snop  }
__scs_overlays_trampoline_lowered:
0x8: {  	[smem:$0x3FAE] =	sst s0  }
0x9: {  	[smem:$0x3FAF] =	sst s1  }
0xa: {  	[smem:$0x3FB0] =	sst s2  }
0xb: {  	[smem:$0x3FB1] =	sst s3  }
0xc: {  	[smem:$0x3FB2] =	sst s4  }
0xd: {  	[smem:$0x3FB3] =	sst s5  }
0xe: {  	[smem:$0x3FB4] =	sst s6  }
0xf: {  	[smem:$0x3FB5] =	sst s7  }
0x10: {  	[smem:$0x3FB6] =	sst s8  }
0x11: {  	[smem:$0x3FB7] =	sst s9;
	s0 =	simm.s32 @!p0 $0x0  }
0x12: {  	s1 =	sld [smem:$0x3F9D];
	s0 =	simm.s32 @p0 $0x1  }
0x13: {  	[smem:$0x3FB8] =	sst s0;
	s0 =	simm.s32 @!p1 $0x0  }
0x14: {  	s2 =	sld [smem:$0x3F9C];
	s0 =	simm.s32 @p1 $0x1  }
0x15: {  	[smem:$0x3FB9] =	sst s0;
	s0 =	simm.s32 @!p2 $0x0  }
0x16: {  	s3 =	sld [smem:$0x3FDB];
	s0 =	simm.s32 @p2 $0x1  }
0x17: {  	s4 =	simm.s32 $0x1BF5;
	[smem:$0x3FBB] =	sst s0  }
0x18: {  	s0 =	sld [smem:$0x3F9E];
	_ =	swait.ge [sflag:s4], $0x0  }
0x19: {  	s7 =	sld [smem:$0x3F9F]  }
0x1a: {  	s8 =	sadd.s32 $0xFFFFE003, lr  }
0x1b: {  	s9 =	sadd.s32 $0xFFFFFEF7, lr;
	s5 =	simm.s32 $0xFFFFFFFF;
	p2 =	slt.u32 s8, $0xFFFFF086  }
0x1c: {  	p1 =	slt.u32 s9, $0xF7A;
	s5 =	simm.s32 @!p2 $0x0  }
0x1d: {  	s5 =	simm.s32 @p1 $0x1;
	p0 =	seq.s32 s7, s2  }
0x1e: {  	s7 =	smul.u32 @!p0 $0xF7A, s2;
	p2 =	seq.s32 @!p0 s5, $0x0  }
0x1f: {  	s9 =	smul.u32 $0xF7A, s1;
	s8 =	simm.s32 @!p0 $0x1BF5;
	p2 =	por !p2, p0  }
0x20: {  	[sflag:s8] =	ssyncset.s32 @!p0 $0xFFFFF086;
	s6 =	sadd.s32 @!p0 s3, s7;
	s7 =	simm.s32 @!p0 $0x108  }
0x21: {  	s3 =	sadd.s32 s3, s9;
	s6 =	sadd.s32 @!p0 $0x88, s6;
	s7 =	simm.s32 @p2 $0x1082  }
0x22: {  	[simem:s7], [sflag:s8] =	dma.local @!p0 [hbm:s6], $0xF7A  }
0x23: {  	s9 =	sor.u32 $0xD0000000, s2;
	s6 =	simm.s32 $0x108;
	_ =	swait.ge @!p0 [sflag:s8], $0x0  }
0x24: {  	s3 =	sadd.s32 $0x88, s3;
	s6 =	simm.s32 @!p1 $0x1082;
	[sflag:s4] =	ssyncset.s32 $0xFFFFF086  }
0x25: {  	[simem:s6], [sflag:s4] =	dma.local [hbm:s3], $0xF7A  }
0x26: {  	[smem:$0x3F9F] =	sst s1;
	(tag) =	ssettag s2;
	_ =	strace s9  }
0x27: {  	s1 =	sld [smem:$0x3FAF]  }
0x28: {  	s2 =	sld [smem:$0x3FB0]  }
0x29: {  	s4 =	sld [smem:$0x3FB2]  }
0x2a: {  	p0 =	seq.s32 s5, $0x0;
	s5 =	sld [smem:$0x3FB3]  }
0x2b: {  	s6 =	sld [smem:$0x3FB4]  }
0x2c: {  	s7 =	sld [smem:$0x3FB5]  }
0x2d: {  	s3 =	simm.s32 $0x108;
	s8 =	sld [smem:$0x3FB6]  }
0x2e: {  	s3 =	simm.s32 @!p0 $0x1082;
	s9 =	sld [smem:$0x3FB7]  }
0x2f: {  	lr =	sadd.s32 s0, s3;
	s0 =	sld [smem:$0x3FAE]  }
0x30: {  	s3 =	sld [smem:$0x3FB1]  }
0x31: {  	[smem:$0x3FBA] =	sst s10  }
0x32: {  	s10 =	sld [smem:$0x3FB8];
	_ =	sdelay $0x3  }
0x33: {  	p0 =	seq.s32 s10, $0x1;
	s10 =	sld [smem:$0x3FBA];
	_ =	sdelay $0x3  }
0x34: {  	[smem:$0x3FBA] =	sst s10  }
0x35: {  	s10 =	sld [smem:$0x3FB9];
	_ =	sdelay $0x3  }
0x36: {  	p1 =	seq.s32 s10, $0x1;
	s10 =	sld [smem:$0x3FBA];
	_ =	sdelay $0x3  }
0x37: {  	[smem:$0x3FBA] =	sst s10  }
0x38: {  	s10 =	sld [smem:$0x3FBB]  }
0x39: {  	_ = 	snop;
	(pc) =	sbr.ind lr, $3  }
0x3a: {  	_ = 	snop  }
0x3b: {  	_ = 	snop  }
0x3c: {  	p2 =	seq.s32 s10, $0x1;
	s10 =	sld [smem:$0x3FBA]  }
0x3d: {  	_ =	shalt  }
0x3e: {  	_ =	shalt  }
0x3f: {  	_ =	shalt  }
0x40: {  	_ =	shalt  }
0x41: {  	_ =	shalt  }
0x42: {  	_ =	shalt  }
0x43: {  	_ =	shalt  }
0x44: {  	_ =	shalt  }
0x45: {  	_ =	shalt  }
0x46: {  	_ =	shalt  }
0x47: {  	_ =	shalt  }
0x48: {  	_ =	shalt  }
0x49: {  	_ =	shalt  }
0x4a: {  	_ =	shalt  }
0x4b: {  	_ =	shalt  }
0x4c: {  	_ =	shalt  }
0x4d: {  	_ =	shalt  }
0x4e: {  	_ =	shalt  }
0x4f: {  	_ =	shalt  }
0x50: {  	_ =	shalt  }
0x51: {  	_ =	shalt  }
0x52: {  	_ =	shalt  }
0x53: {  	_ =	shalt  }
0x54: {  	_ =	shalt  }
0x55: {  	_ =	shalt  }
0x56: {  	_ =	shalt  }
0x57: {  	_ =	shalt  }
0x58: {  	_ =	shalt  }
0x59: {  	_ =	shalt  }
0x5a: {  	_ =	shalt  }
0x5b: {  	_ =	shalt  }
0x5c: {  	_ =	shalt  }
0x5d: {  	_ =	shalt  }
0x5e: {  	_ =	shalt  }
0x5f: {  	_ =	shalt  }
0x60: {  	_ =	shalt  }
0x61: {  	_ =	shalt  }
0x62: {  	_ =	shalt  }
0x63: {  	_ =	shalt  }
0x64: {  	_ =	shalt  }
0x65: {  	_ =	shalt  }
0x66: {  	_ =	shalt  }
0x67: {  	_ =	shalt  }
0x68: {  	_ =	shalt  }
0x69: {  	_ =	shalt  }
0x6a: {  	_ =	shalt  }
0x6b: {  	_ =	shalt  }
0x6c: {  	_ =	shalt  }
0x6d: {  	_ =	shalt  }
0x6e: {  	_ =	shalt  }
0x6f: {  	_ =	shalt  }
0x70: {  	_ =	shalt  }
0x71: {  	_ =	shalt  }
0x72: {  	_ =	shalt  }
0x73: {  	_ =	shalt  }
0x74: {  	_ =	shalt  }
0x75: {  	_ =	shalt  }
0x76: {  	_ =	shalt  }
0x77: {  	_ =	shalt  }
0x78: {  	_ =	shalt  }
0x79: {  	_ =	shalt  }
0x7a: {  	_ =	shalt  }
0x7b: {  	_ =	shalt  }
0x7c: {  	_ =	shalt  }
0x7d: {  	_ =	shalt  }
0x7e: {  	_ =	shalt  }
0x7f: {  	_ =	shalt  }
0x80: {  	_ =	shalt  }
0x81: {  	_ =	shalt  }
0x82: {  	_ =	shalt  }
0x83: {  	_ =	shalt  }
0x84: {  	_ =	shalt  }
0x85: {  	_ =	shalt  }
0x86: {  	_ =	shalt  }
0x87: {  	_ =	shalt  }
.Lfunc_end0:
.L_simem_size_0:
called_computation.2_lowered:
.L_overlay_start_0:
0x88: {  	s2 =	sld [smem:$0x3FD9]  }
0x89: {  	s3 =	sld [smem:$0x3FFE];
	_ =	sdelay $0x1  }
0x8a: {  	s1 =	srdreg.scid  }
0x8b: {  	s0 =	sand.u32 $0x1, s1  }
0x8c: {  	s15 =	sshll.u32 s0, $0xA;
	s2 =	sadd.s32 s3, s2  }
0x8d: {  	s2 =	sadd.s32 s2, s15  }
0x8e: {  	[smem:$0x3FC6] =	sst s2  }
0x8f: {  	_ = 	snop  }
0x90: {  	s2 =	sld [smem:$0x3FD0];
	_ =	sdelay $0x2  }
0x91: {  	s16 =	simm.s32 $0xD;
	s4 =	simm.s32 $0x10  }
0x92: {  	[smem:s4], [sflag:s16] =	dma.local [hbm:s2], $0x1  }
0x93: {  	_ =	swait.eq [sflag:s16], $0x1  }
0x94: {  	[sflag:s16] =	ssyncset.done $0x0  }
0x95: {  	[sflag:s16] =	ssyncadd.s32 $0xFFFFFFFF  }
0x96: {  	s17 =	sld [smem:$0x12];
	(tm) =	ssettm $0x1  }
0x97: {  	s18 =	sld [smem:$0x3FFB];
	_ =	sdelay $0x3  }
0x98: {  	_ =	strace s18  }
0x99: {  	s2 =	sld [smem:$0x3FFC];
	_ =	sdelay $0x3  }
0x9a: {  	_ =	strace s2  }
0x9b: {  	s2 =	sld [smem:$0x3FFD];
	_ =	sdelay $0x3  }
0x9c: {  	_ =	strace s2  }
0x9d: {  	_ =	strace $0x8FFFFFFF  }
0x9e: {  	s19 =	sld [smem:$0x3FDB];
	_ =	sdelay $0x1  }
0x9f: {  	s20 =	simm.s32 $_scs_section_size  }
0xa0: {  	s5 =	simm.s32 $_size__tile_overlayer_lowered;
	s6 =	simm.s32 $_tile_overlayer_lowered  }
0xa1: {  	s7 =	simm.s32 $0x1BFF;
	s21 =	sshll.u32 s6, $0x1;
	s4 =	sadd.s32 s20, s19  }
0xa2: {  	s22 =	simm.s32 $0x0;
	s5 =	sshll.u32 s5, $0x1;
	s6 =	sadd.s32 s21, s4  }
0xa3: {  	[timem:s22], [sflag:s7] =	dma.local [hbm:s6], s5  }
0xa4: {  	_ =	swait.ge [sflag:s7], s5  }
0xa5: {  	s5 =	ssub.s32 $0x0, s5;
	[sflag:s7] =	ssyncset.done $0x0  }
0xa6: {  	[sflag:s7] =	ssyncadd.s32 s5;
	_ =	sdelay $0x1  }
0xa7: {  	s23 =	simm.s32 $0x1B8B  }
0xa8: {  	_ =	swait.ge [sflag:s23], $0x1  }
0xa9: {  	[sflag:s23] =	ssyncset.done $0x0  }
0xaa: {  	[sflag:s23] =	ssyncadd.s32 $0xFFFFFFFF  }
0xab: {  	s5 =	sld [smem:$0x0]  }
0xac: {  	s6 =	sand.u32 $0xFFFFFFFE, s1  }
0xad: {  	p0 =	sne.s32 s1, s6  }
0xae: {  	s6 =	sshll.u32 @p0 s6, $0xE  }
0xaf: {  	s6 =	sadd.s32 @p0 $0x11B8D, s6;
	s7 =	sshll.u32 @p0 s5, $0x11  }
0xb0: {  	s6 =	sor.u32 @p0 s7, s6  }
0xb1: {  	[sflag:s6] =	ssyncadd.remote.s32 @p0 $0x1;
	_ =	sdelay $0x1  }
0xb2: {  	s6 =	simm.s32 @p0 $0x1B8D  }
0xb3: {  	_ =	swait.eq @p0 [sflag:s6], $0x1  }
0xb4: {  	[sflag:s6] =	ssyncadd.s32 @p0 $0xFFFFFFFF  }
0xb5: {  	s7 =	sshll.u32 @!p0 s1, $0xE  }
0xb6: {  	s7 =	sor.u32 @!p0 $0x4000, s7;
	s6 =	simm.s32 @!p0 $0x1B8D  }
0xb7: {  	s5 =	sshll.u32 @!p0 s5, $0x11;
	s7 =	sadd.s32 @!p0 $0x11B8D, s7;
	_ =	swait.eq @!p0 [sflag:s6], $0x1  }
0xb8: {  	s5 =	sor.u32 @!p0 s5, s7;
	[sflag:s6] =	ssyncadd.s32 @!p0 $0xFFFFFFFF  }
0xb9: {  	s25 =	simm.s32 $0x1B8E;
	s24 =	sld [smem:$0x3FFE];
	[sflag:s5] =	ssyncadd.remote.s32 @!p0 $0x1  }
0xba: {  	s26 =	simm.s32 $execute0_lowered;
	[smem:$0x3FD2] =	sst s25  }
0xbb: {  	s6 =	sshll.u32 s26, $0x1;
	_ =	strace $0x80000049;
	[dreg:$0x1] =	wrdreg $0xFFFFFFFF  }
0xbc: {  	s28 =	simm.s32 $_size_execute0_lowered;
	s4 =	sadd.s32 s4, s6;
	[dreg:$0x0] =	wrdreg $0x0  }
0xbd: {  	s6 =	sshll.u32 s28, $0x1;
	[dreg:$0x2] =	wrdreg s4  }
0xbe: {  	[dreg:$0x3] =	wrdreg s6  }
0xbf: {  	[dreg:$0x4] =	wrdreg $0xC0  }
0xc0: {  	_ =	task [dreg:s22], $0x5FFFF  }
0xc1: {  	[dreg:$0x1] =	wrdreg $0xFFFFFFFF  }
0xc2: {  	[dreg:$0x0] =	wrdreg $0x60  }
0xc3: {  	[dreg:$0x2] =	wrdreg s17  }
0xc4: {  	[dreg:$0x3] =	wrdreg s24  }
0xc5: {  	[dreg:$0x4] =	wrdreg $0xB  }
0xc6: {  	_ =	task.clear_ibuf [dreg:s22], $0x5FFFF;
	_ =	strace $0x90000049  }
0xc7: {  	s29 =	simm.s32 $0xB;
	_ =	strace $0x8000004B  }
0xc8: {  	_ =	swait.ge [sflag:s29], $0x1  }
0xc9: {  	[sflag:s29] =	ssyncadd.s32 $0xFFFFFFFF  }
0xca: {  	_ =	strace $0x9000004B  }
0xcb: {  	_ =	sfence  }
0xcc: {  	s30 =	sld [smem:$0x0];
	_ =	sdelay $0x2  }
0xcd: {  	s31 =	sshll.u32 s1, $0xD;
	s1 =	sshrl.u32 s1, $0x2  }
0xce: {  	s4 =	sand.u32 $0x4000, s31;
	s1 =	sadd.s32 s1, s30  }
0xcf: {  	s0 =	sor.u32 s4, s0;
	s1 =	sshll.u32 s1, $0x11  }
0xd0: {  	s0 =	sor.u32 s1, s0  }
0xd1: {  	s0 =	sadd.s32 $0x8F2B, s0  }
0xd2: {  	[sflag:s0] =	ssyncadd.remote.s32 $0x1  }
0xd3: {  	_ =	sfence.sel $0xFFFF  }
0xd4: {  	[dreg:$0x0] =	wrdreg $0xFFFFFFFF;
	(pc) =	sbr.abs _section_cstart, $3  }
0xd5: {  	[dreg:$0x1] =	wrdreg $0xFFFFFFFF  }
0xd6: {  	_ =	task.clear_ibuf [dreg:s22], $0x2FFFF;
	_ =	strace $0x9FFFFFFF  }
0xd7: {  	(tm) =	ssettm $0x7FFFFFFF  }
tec
execute0_lowered:
.L_overlay_start_1:
0x0: {  	(tag) =	ssettag $0x1  }
0x1: {  	s3 =	rddreg [dreg:$0x0];
	s0 =	srdreg.scid  }
0x2: {  	s4 =	rddreg [dreg:$0x1];
	s1 =	stileid.u32;
	s2 =	simm.s32 $0x0  }
0x3: {  	s5 =	sand.u32 $0x1, s0;
	s0 =	rddreg [dreg:$0x2];
	s6 =	sshll.u32 s1, $0x9  }
0x4: {  	[smem:$0x7FF] =	sst s2;
	s7 =	sshll.u32 s5, $0x8;
	s5 =	ssub.s32 $0x2, s5  }
0x5: {  	_ =	strace $0x8000004A;
	s6 =	sor.u32 s7, s6;
	s8 =	sshrl.u32 s5, $0x1  }
0x6: {  	s7 =	sshrl.u32 s6, $0x1;
	s5 =	ssub.s32 s5, s8;
	s3 =	sadd.s32 s3, s6  }
0x7: {  	s6 =	simm.s32 $0x1;
	s8 =	simm.s32 $0x0;
	s4 =	sadd.s32 s7, s4  }
0x8: {  	v0 =	vimm.f32 $1.000000000e+00;
	v1 =	vimm.f32 $0.0e+00;
	s5 =	smax.u32 s5, $0x1;
	s7 =	simm.s32 $0x800;
	s4 =	sadd.s32 $0x3200, s4  }
.LBB2_1:
0x9: {  	[tilespmem:s2], [sflag:$0x1] =	stream.linear.gather [hbm4b:s3+s2], $0x800, $0x38;
	[tilespmem:$0xC00] =	vst v63  }
0xa: {  	s10 =	simm.s32 $0x0;
	_ =	swait.ge [sflag:s6], $0x800  }
0xb: {  	s9 =	sand.u32 $0x70, s2;
	s10 =	sand.u32 $0x3FFFFC00, s10;
	[sflag:s6] =	ssyncset.done $0x0  }
0xc: {  	s10 =	sor.u32 s9, s10;
	[sflag:s6] =	ssyncadd.s32 $0xFFFFF800  }
0xd: {  	v2 =	vld [tilespmem:s10+$0x80];
	_ =	sdelay $0x2  }
0xe: {  	v3 =	vld [tilespmem:s10+$0x0];
	_ =	sdelay $0x1  }
0xf: {  	v4 =	vld [tilespmem:s10+$0x100];
	vm0 =	vlt.f32 v2, $-Inf;
	vm1 =	vgt.f32 v2, $-Inf  }
0x10: {  	vm0 =	vmor vm1, vm0  }
0x11: {  	vm2 =	vmneg vm0  }
0x12: {  	v6 =	vld [tilespmem:s10+$0x180];
	vm0 =	vgt.f32 v2, v3;
	v5 =	vsel vm2, $0xFF800000, v2  }
0x13: {  	v5 =	vsel vm0, v3, v5  }
0x14: {  	v2 =	vsel vm0, v2, v3;
	vm3 =	vgt.f32 v4, v5  }
0x15: {  	v54 =	vld [tilespmem:s10+$0x200];
	vm1 =	vgt.f32 v4, v2;
	v3 =	vsel vm3, v4, v5  }
0x16: {  	v3 =	vsel vm1, v2, v3  }
0x17: {  	v2 =	vsel vm1, v4, v2;
	vm5 =	vgt.f32 v6, v3  }
0x18: {  	v55 =	vld [tilespmem:s10+$0x280];
	vm4 =	vgt.f32 v6, v2;
	v3 =	vsel vm5, v6, v3  }
0x19: {  	v3 =	vsel vm4, v2, v3  }
0x1a: {  	v2 =	vsel vm4, v6, v2;
	vm7 =	vgt.f32 v54, v3  }
0x1b: {  	v56 =	vld [tilespmem:s10+$0x300];
	vm6 =	vgt.f32 v54, v2;
	v3 =	vsel vm7, v54, v3  }
0x1c: {  	v3 =	vsel vm6, v2, v3  }
0x1d: {  	v2 =	vsel vm6, v54, v2;
	vm9 =	vgt.f32 v55, v3  }
0x1e: {  	v57 =	vld [tilespmem:s10+$0x380];
	vm8 =	vgt.f32 v55, v2;
	v3 =	vsel vm9, v55, v3  }
0x1f: {  	v3 =	vsel vm8, v2, v3  }
0x20: {  	v2 =	vsel vm8, v55, v2;
	vm12 =	vgt.f32 v56, v3  }
0x21: {  	vm11 =	vgt.f32 v56, v2;
	v3 =	vsel vm12, v56, v3  }
0x22: {  	v3 =	vsel vm11, v2, v3  }
0x23: {  	v2 =	vsel vm11, v56, v2;
	vm13 =	vgt.f32 v57, v3  }
0x24: {  	vm10 =	vgt.f32 v57, v2;
	v3 =	vsel vm13, v57, v3  }
0x25: {  	v3 =	vsel vm10, v2, v3;
	v2 =	vsel vm10, v57, v2  }
0x26: {  	v2 =	vsub.f32 v3, v2;
	_ =	sdelay $0x1  }
0x27: {  	v2 =	vmul.f32 $1.442695020e+00, v2;
	_ =	sdelay $0x1  }
0x28: {  	(erf) = vpow2.f32 v2;
	_ =	sdelay $0x8  }
0x29: {  	vm2 =	vmor vm0, vm2;
	v2 =	vpop (erf)  }
0x2a: {  	v3 =	vsel vm2, $0x0, v0;
	v58 =	vadd.f32 $1.000000000e+00, v2  }
0x2b: {  	v59 =	vsel vm0, $0x3F800000, v1;
	v3 =	vsel vm3, $0x40000000, v3  }
0x2c: {  	v3 =	vsel vm1, v59, v3;
	(erf) = vrcp.f32 v58  }
0x2d: {  	v60 =	vsel vm1, $0x40000000, v59;
	v3 =	vsel vm5, $0x40400000, v3  }
0x2e: {  	v3 =	vsel vm4, v60, v3  }
0x2f: {  	v4 =	vsel vm4, $0x40400000, v60;
	v3 =	vsel vm7, $0x40800000, v3  }
0x30: {  	v3 =	vsel vm6, v4, v3  }
0x31: {  	v4 =	vsel vm6, $0x40800000, v4;
	v3 =	vsel vm9, $0x40A00000, v3  }
0x32: {  	v3 =	vsel vm8, v4, v3  }
0x33: {  	s31 =	simm.s32 $0x0;
	v4 =	vsel vm8, $0x40A00000, v4;
	v3 =	vsel vm12, $0x40C00000, v3  }
0x34: {  	s10 =	sand.u32 $0x3FFFFE00, s31;
	v3 =	vsel vm11, v4, v3;
	v4 =	vsel vm11, $0x40C00000, v4  }
0x35: {  	s13 =	sor.u32 s9, s10;
	v3 =	vsel vm13, $0x40E00000, v3;
	v61 =	vsel vm10, $0x40E00000, v4;
	v62 =	vpop (erf)  }
0x36: {  	v3 =	vsel vm10, v4, v3;
	[tilespmem:s13+$0x800] =	vst v61;
	v63 =	vmul.f32 v62, v2  }
0x37: {  	s14 =	simm.s32 $0x80;
	s11 =	simm.s32 $0x10;
	s12 =	simm.s32 $0x2;
	[tilespmem:s13+$0x880] =	vst v3  }
0x38: {  	s14 =	sand.u32 $0x3FFFFC00, s14;
	s9 =	simm.s32 $0x1;
	s10 =	sand.u32 $0x70, s11;
	v2 =	vsub.f32 $1.000000000e+00, v63;
	[tilespmem:s13+$0x980] =	vst v63  }
.LBB2_2:
0x39: {  	p0 =	sne.s32 s12, $0xF  }
0x3a: {  	s14 =	sor.u32 s10, s14;
	[tilespmem:s13+$0x900] =	vst v2;
	s13 =	smov.u32 s12;
	s12 =	sadd.s32 $0x1, s12  }
0x3b: {  	v2 =	vld [tilespmem:s14+$0x80];
	_ =	sdelay $0x2  }
0x3c: {  	v3 =	vld [tilespmem:s14+$0x0];
	_ =	sdelay $0x1  }
0x3d: {  	vm0 =	vlt.f32 v2, $-Inf;
	vm1 =	vgt.f32 v2, $-Inf;
	v4 =	vld [tilespmem:s14+$0x100]  }
0x3e: {  	vm0 =	vmor vm1, vm0  }
0x3f: {  	vm0 =	vmneg vm0  }
0x40: {  	vm1 =	vgt.f32 v2, v3;
	v5 =	vsel vm0, $0xFF800000, v2;
	v6 =	vld [tilespmem:s14+$0x180]  }
0x41: {  	v5 =	vsel vm1, v3, v5;
	vm0 =	vmor vm1, vm0;
	v2 =	vsel vm1, v2, v3  }
0x42: {  	v7 =	vsel vm1, $0x3F800000, v1;
	v3 =	vsel vm0, $0x0, v0;
	vm0 =	vgt.f32 v4, v5  }
0x43: {  	vm1 =	vgt.f32 v4, v2;
	v5 =	vsel vm0, v4, v5;
	v3 =	vsel vm0, $0x40000000, v3;
	v8 =	vld [tilespmem:s14+$0x200]  }
0x44: {  	v5 =	vsel vm1, v2, v5;
	v3 =	vsel vm1, v7, v3;
	v2 =	vsel vm1, v4, v2  }
0x45: {  	v4 =	vsel vm1, $0x40000000, v7;
	vm0 =	vgt.f32 v6, v5  }
0x46: {  	vm1 =	vgt.f32 v6, v2;
	v5 =	vsel vm0, v6, v5;
	v3 =	vsel vm0, $0x40400000, v3;
	v7 =	vld [tilespmem:s14+$0x280]  }
0x47: {  	v5 =	vsel vm1, v2, v5;
	v3 =	vsel vm1, v4, v3;
	v4 =	vsel vm1, $0x40400000, v4  }
0x48: {  	v2 =	vsel vm1, v6, v2;
	vm0 =	vgt.f32 v8, v5  }
0x49: {  	vm1 =	vgt.f32 v8, v2;
	v5 =	vsel vm0, v8, v5;
	v3 =	vsel vm0, $0x40800000, v3;
	v6 =	vld [tilespmem:s14+$0x300]  }
0x4a: {  	v5 =	vsel vm1, v2, v5;
	v3 =	vsel vm1, v4, v3  }
0x4b: {  	v2 =	vsel vm1, v8, v2;
	v4 =	vsel vm1, $0x40800000, v4;
	vm0 =	vgt.f32 v7, v5  }
0x4c: {  	vm1 =	vgt.f32 v7, v2;
	v5 =	vsel vm0, v7, v5;
	v3 =	vsel vm0, $0x40A00000, v3;
	v8 =	vld [tilespmem:s14+$0x380]  }
0x4d: {  	v5 =	vsel vm1, v2, v5;
	v3 =	vsel vm1, v4, v3;
	v4 =	vsel vm1, $0x40A00000, v4  }
0x4e: {  	v2 =	vsel vm1, v7, v2;
	vm0 =	vgt.f32 v6, v5  }
0x4f: {  	vm1 =	vgt.f32 v6, v2;
	v5 =	vsel vm0, v6, v5;
	v3 =	vsel vm0, $0x40C00000, v3  }
0x50: {  	v5 =	vsel vm1, v2, v5;
	v3 =	vsel vm1, v4, v3;
	v4 =	vsel vm1, $0x40C00000, v4  }
0x51: {  	s14 =	sshll.u32 s9, $0x6;
	s9 =	smov.u32 s13;
	v2 =	vsel vm1, v6, v2;
	vm0 =	vgt.f32 v8, v5  }
0x52: {  	s13 =	sand.u32 $0x3FFFFE00, s14;
	vm1 =	vgt.f32 v8, v2;
	v5 =	vsel vm0, v8, v5;
	v3 =	vsel vm0, $0x40E00000, v3  }
0x53: {  	s13 =	sor.u32 s10, s13;
	v6 =	vsel vm1, $0x40E00000, v4;
	v5 =	vsel vm1, v2, v5;
	v2 =	vsel vm1, v8, v2  }
0x54: {  	v3 =	vsel vm1, v4, v3;
	v2 =	vsub.f32 v5, v2;
	[tilespmem:s13+$0x800] =	vst v6  }
0x55: {  	[tilespmem:s13+$0x880] =	vst v3  }
0x56: {  	v2 =	vmul.f32 $1.442695020e+00, v2;
	_ =	sdelay $0x1  }
0x57: {  	(erf) = vpow2.f32 v2;
	_ =	sdelay $0x8  }
0x58: {  	v2 =	vpop (erf)  }
0x59: {  	v3 =	vadd.f32 $1.000000000e+00, v2;
	_ =	sdelay $0x1  }
0x5a: {  	(erf) = vrcp.f32 v3;
	_ =	sdelay $0x8  }
.Ltmp0:
0x5b: {  	v3 =	vpop (erf);
	(pc) =	sbr.rel @p0 .LBB2_2-.Ltmp0, $3  }
0x5c: {  	v3 =	vmul.f32 v3, v2;
	_ =	sdelay $0x1  }
0x5d: {  	s11 =	sadd.s32 $0x10, s11;
	s14 =	sshll.u32 s9, $0x7;
	v2 =	vsub.f32 $1.000000000e+00, v3;
	[tilespmem:s13+$0x980] =	vst v3  }
0x5e: {  	s10 =	sand.u32 $0x70, s11;
	s14 =	sand.u32 $0x3FFFFC00, s14  }
0x5f: {  	s11 =	sor.u32 s10, s14;
	[tilespmem:s13+$0x900] =	vst v2  }
0x60: {  	v2 =	vld [tilespmem:s11+$0x80];
	_ =	sdelay $0x2  }
0x61: {  	v3 =	vld [tilespmem:s11+$0x0];
	_ =	sdelay $0x1  }
0x62: {  	v4 =	vld [tilespmem:s11+$0x100];
	vm0 =	vlt.f32 v2, $-Inf;
	vm1 =	vgt.f32 v2, $-Inf  }
0x63: {  	vm0 =	vmor vm1, vm0  }
0x64: {  	vm1 =	vmneg vm0  }
0x65: {  	v6 =	vld [tilespmem:s11+$0x180];
	vm0 =	vgt.f32 v2, v3;
	v5 =	vsel vm1, $0xFF800000, v2  }
0x66: {  	v5 =	vsel vm0, v3, v5  }
0x67: {  	v2 =	vsel vm0, v2, v3;
	vm3 =	vgt.f32 v4, v5  }
0x68: {  	v55 =	vld [tilespmem:s11+$0x200];
	vm2 =	vgt.f32 v4, v2;
	v3 =	vsel vm3, v4, v5  }
0x69: {  	v3 =	vsel vm2, v2, v3  }
0x6a: {  	v2 =	vsel vm2, v4, v2;
	vm5 =	vgt.f32 v6, v3  }
0x6b: {  	v56 =	vld [tilespmem:s11+$0x280];
	vm4 =	vgt.f32 v6, v2;
	v3 =	vsel vm5, v6, v3  }
0x6c: {  	v3 =	vsel vm4, v2, v3  }
0x6d: {  	v2 =	vsel vm4, v6, v2;
	vm7 =	vgt.f32 v55, v3  }
0x6e: {  	v57 =	vld [tilespmem:s11+$0x300];
	vm6 =	vgt.f32 v55, v2;
	v3 =	vsel vm7, v55, v3  }
0x6f: {  	v3 =	vsel vm6, v2, v3  }
0x70: {  	v2 =	vsel vm6, v55, v2;
	vm10 =	vgt.f32 v56, v3  }
0x71: {  	v58 =	vld [tilespmem:s11+$0x380];
	vm8 =	vgt.f32 v56, v2;
	v3 =	vsel vm10, v56, v3  }
0x72: {  	v3 =	vsel vm8, v2, v3  }
0x73: {  	v2 =	vsel vm8, v56, v2;
	vm12 =	vgt.f32 v57, v3  }
0x74: {  	vm11 =	vgt.f32 v57, v2;
	v3 =	vsel vm12, v57, v3  }
0x75: {  	v3 =	vsel vm11, v2, v3  }
0x76: {  	v2 =	vsel vm11, v57, v2;
	vm13 =	vgt.f32 v58, v3  }
0x77: {  	vm9 =	vgt.f32 v58, v2;
	v3 =	vsel vm13, v58, v3  }
0x78: {  	v3 =	vsel vm9, v2, v3;
	v2 =	vsel vm9, v58, v2  }
0x79: {  	v2 =	vsub.f32 v3, v2;
	_ =	sdelay $0x1  }
0x7a: {  	v2 =	vmul.f32 $1.442695020e+00, v2;
	_ =	sdelay $0x1  }
0x7b: {  	(erf) = vpow2.f32 v2;
	_ =	sdelay $0x8  }
0x7c: {  	v2 =	vpop (erf)  }
0x7d: {  	vm1 =	vmor vm0, vm1;
	v3 =	vadd.f32 $1.000000000e+00, v2  }
0x7e: {  	v59 =	vsel vm1, $0x0, v0  }
0x7f: {  	v60 =	vsel vm0, $0x3F800000, v1;
	v4 =	vsel vm3, $0x40000000, v59;
	(erf) = vrcp.f32 v3  }
0x80: {  	v3 =	vsel vm2, v60, v4  }
0x81: {  	v61 =	vsel vm2, $0x40000000, v60;
	v3 =	vsel vm5, $0x40400000, v3  }
0x82: {  	v3 =	vsel vm4, v61, v3  }
0x83: {  	v4 =	vsel vm4, $0x40400000, v61;
	v3 =	vsel vm7, $0x40800000, v3  }
0x84: {  	v3 =	vsel vm6, v4, v3  }
0x85: {  	v4 =	vsel vm6, $0x40800000, v4;
	v3 =	vsel vm10, $0x40A00000, v3  }
0x86: {  	v3 =	vsel vm8, v4, v3  }
0x87: {  	s9 =	sshll.u32 s9, $0x6;
	v4 =	vsel vm8, $0x40A00000, v4;
	v3 =	vsel vm12, $0x40C00000, v3  }
0x88: {  	s9 =	sand.u32 $0x3FFFFE00, s9;
	v3 =	vsel vm11, v4, v3;
	v4 =	vsel vm11, $0x40C00000, v4;
	v62 =	vpop (erf)  }
0x89: {  	s9 =	sor.u32 s10, s9;
	v3 =	vsel vm13, $0x40E00000, v3;
	v63 =	vsel vm9, $0x40E00000, v4;
	v2 =	vmul.f32 v62, v2  }
0x8a: {  	v3 =	vsel vm9, v4, v3;
	[tilespmem:s9+$0x800] =	vst v63  }
0x8b: {  	s8 =	sadd.s32 $0x1, s8;
	[tilespmem:s9+$0x880] =	vst v3;
	v3 =	vsub.f32 $1.000000000e+00, v2  }
0x8c: {  	p0 =	sne.s32 s8, s5;
	[tilespmem:s9+$0x980] =	vst v2  }
.Ltmp1:
0x8d: {  	[tilespmem:s9+$0x900] =	vst v3;
	(pc) =	sbr.rel @p0 .LBB2_1-.Ltmp1, $4  }
0x8e: {  	[hbm4b:s4+s2] =	stream.linear.scatter [tilespmem:s7], [sflag:$0x1], $0x400, $0x38;
	[tilespmem:$0xC00] =	vst v63  }
0x8f: {  	_ =	swait.ge [sflag:s6], $0x400  }
0x90: {  	[sflag:s6] =	ssyncset.done $0x0  }
0x91: {  	[sflag:s6] =	ssyncadd.s32 $0xFFFFFC00  }
0x92: {  	_ =	sfence.sel $0x180000  }
0x93: {  	[bflag:$0x0] =	sbarrier.arrive $0xFFFF  }
0x94: {  	p0 =	sne.s32 s1, $0x0;
	_ =	strace $0x9000004A  }
0x95: {  	s0 =	sadd.s32 @!p0 $0x100000, s0;
	[bflag:$0x2] =	sbarrier.arrive $0xFFFF  }
0x96: {  	[sflag:s0] =	ssyncadd.tile.s32 @!p0 $0x1;
	_ =	shalt  }
.Lfunc_end2:
_tile_overlayer_lowered:
.L_overlay_start_2:
0x97: {  	(tag) =	ssettag $0x2  }
0x98: {  	s0 =	rddreg [dreg:$0x0];
	s2 =	stileid.u32  }
0x99: {  	s1 =	rddreg [dreg:$0x1];
	p0 =	sne.s32 s2, $0x0  }
0x9a: {  	s3 =	rddreg [dreg:$0x2];
	[bflag:$0x3] =	sbarrier.arrive $0xFFFF;
	s2 =	simm.s32 @!p0 $0x1C01  }
0x9b: {  	[timem:s3], [sflag:s2] =	dma.local @!p0 [hbm:s0], s1  }
0x9c: {  	s0 =	simm.s32 @!p0 $0x1  }
0x9d: {  	_ =	swait.ge @!p0 [sflag:s0], s1  }
0x9e: {  	s1 =	ssub.s32 @!p0 $0x0, s1;
	[sflag:s0] =	ssyncset.done @!p0 $0x0  }
0x9f: {  	[sflag:s0] =	ssyncadd.s32 @!p0 s1  }
0xa0: {  	[bflag:$0x3] =	sbarrier.arrive $0xFFFF  }
0xa1: {  	_ =	shalt  }

// kernel: kernel.19.cloned.1.call-start
scs
__scs_entry_jumppad:
0x0: {  	(pc) =	sbr.rel $0x88, $3  }
0x1: {  	(tag) =	ssettag $0x0;
	lr =	simm.s32 $0x1  }
0x2: {  	[smem:$0x3F9F] =	sst lr;
	_ =	strace $0xD0000000  }
0x3: {  	_ = 	snop  }
0x4: {  	_ = 	snop  }
0x5: {  	_ = 	snop  }
0x6: {  	_ = 	snop  }
0x7: {  	_ = 	snop  }
__scs_overlays_trampoline_lowered:
0x8: {  	[smem:$0x3FAE] =	sst s0  }
0x9: {  	[smem:$0x3FAF] =	sst s1  }
0xa: {  	[smem:$0x3FB0] =	sst s2  }
0xb: {  	[smem:$0x3FB1] =	sst s3  }
0xc: {  	[smem:$0x3FB2] =	sst s4  }
0xd: {  	[smem:$0x3FB3] =	sst s5  }
0xe: {  	[smem:$0x3FB4] =	sst s6  }
0xf: {  	[smem:$0x3FB5] =	sst s7  }
0x10: {  	[smem:$0x3FB6] =	sst s8  }
0x11: {  	[smem:$0x3FB7] =	sst s9;
	s0 =	simm.s32 @!p0 $0x0  }
0x12: {  	s1 =	sld [smem:$0x3F9D];
	s0 =	simm.s32 @p0 $0x1  }
0x13: {  	[smem:$0x3FB8] =	sst s0;
	s0 =	simm.s32 @!p1 $0x0  }
0x14: {  	s2 =	sld [smem:$0x3F9C];
	s0 =	simm.s32 @p1 $0x1  }
0x15: {  	[smem:$0x3FB9] =	sst s0;
	s0 =	simm.s32 @!p2 $0x0  }
0x16: {  	s3 =	sld [smem:$0x3FDB];
	s0 =	simm.s32 @p2 $0x1  }
0x17: {  	s4 =	simm.s32 $0x1BF5;
	[smem:$0x3FBB] =	sst s0  }
0x18: {  	s0 =	sld [smem:$0x3F9E];
	_ =	swait.ge [sflag:s4], $0x0  }
0x19: {  	s7 =	sld [smem:$0x3F9F]  }
0x1a: {  	s8 =	sadd.s32 $0xFFFFE003, lr  }
0x1b: {  	s9 =	sadd.s32 $0xFFFFFEF7, lr;
	s5 =	simm.s32 $0xFFFFFFFF;
	p2 =	slt.u32 s8, $0xFFFFF086  }
0x1c: {  	p1 =	slt.u32 s9, $0xF7A;
	s5 =	simm.s32 @!p2 $0x0  }
0x1d: {  	s5 =	simm.s32 @p1 $0x1;
	p0 =	seq.s32 s7, s2  }
0x1e: {  	s7 =	smul.u32 @!p0 $0xF7A, s2;
	p2 =	seq.s32 @!p0 s5, $0x0  }
0x1f: {  	s9 =	smul.u32 $0xF7A, s1;
	s8 =	simm.s32 @!p0 $0x1BF5;
	p2 =	por !p2, p0  }
0x20: {  	[sflag:s8] =	ssyncset.s32 @!p0 $0xFFFFF086;
	s6 =	sadd.s32 @!p0 s3, s7;
	s7 =	simm.s32 @!p0 $0x108  }
0x21: {  	s3 =	sadd.s32 s3, s9;
	s6 =	sadd.s32 @!p0 $0x88, s6;
	s7 =	simm.s32 @p2 $0x1082  }
0x22: {  	[simem:s7], [sflag:s8] =	dma.local @!p0 [hbm:s6], $0xF7A  }
0x23: {  	s9 =	sor.u32 $0xD0000000, s2;
	s6 =	simm.s32 $0x108;
	_ =	swait.ge @!p0 [sflag:s8], $0x0  }
0x24: {  	s3 =	sadd.s32 $0x88, s3;
	s6 =	simm.s32 @!p1 $0x1082;
	[sflag:s4] =	ssyncset.s32 $0xFFFFF086  }
0x25: {  	[simem:s6], [sflag:s4] =	dma.local [hbm:s3], $0xF7A  }
0x26: {  	[smem:$0x3F9F] =	sst s1;
	(tag) =	ssettag s2;
	_ =	strace s9  }
0x27: {  	s1 =	sld [smem:$0x3FAF]  }
0x28: {  	s2 =	sld [smem:$0x3FB0]  }
0x29: {  	s4 =	sld [smem:$0x3FB2]  }
0x2a: {  	p0 =	seq.s32 s5, $0x0;
	s5 =	sld [smem:$0x3FB3]  }
0x2b: {  	s6 =	sld [smem:$0x3FB4]  }
0x2c: {  	s7 =	sld [smem:$0x3FB5]  }
0x2d: {  	s3 =	simm.s32 $0x108;
	s8 =	sld [smem:$0x3FB6]  }
0x2e: {  	s3 =	simm.s32 @!p0 $0x1082;
	s9 =	sld [smem:$0x3FB7]  }
0x2f: {  	lr =	sadd.s32 s0, s3;
	s0 =	sld [smem:$0x3FAE]  }
0x30: {  	s3 =	sld [smem:$0x3FB1]  }
0x31: {  	[smem:$0x3FBA] =	sst s10  }
0x32: {  	s10 =	sld [smem:$0x3FB8];
	_ =	sdelay $0x3  }
0x33: {  	p0 =	seq.s32 s10, $0x1;
	s10 =	sld [smem:$0x3FBA];
	_ =	sdelay $0x3  }
0x34: {  	[smem:$0x3FBA] =	sst s10  }
0x35: {  	s10 =	sld [smem:$0x3FB9];
	_ =	sdelay $0x3  }
0x36: {  	p1 =	seq.s32 s10, $0x1;
	s10 =	sld [smem:$0x3FBA];
	_ =	sdelay $0x3  }
0x37: {  	[smem:$0x3FBA] =	sst s10  }
0x38: {  	s10 =	sld [smem:$0x3FBB]  }
0x39: {  	_ = 	snop;
	(pc) =	sbr.ind lr, $3  }
0x3a: {  	_ = 	snop  }
0x3b: {  	_ = 	snop  }
0x3c: {  	p2 =	seq.s32 s10, $0x1;
	s10 =	sld [smem:$0x3FBA]  }
0x3d: {  	_ =	shalt  }
0x3e: {  	_ =	shalt  }
0x3f: {  	_ =	shalt  }
0x40: {  	_ =	shalt  }
0x41: {  	_ =	shalt  }
0x42: {  	_ =	shalt  }
0x43: {  	_ =	shalt  }
0x44: {  	_ =	shalt  }
0x45: {  	_ =	shalt  }
0x46: {  	_ =	shalt  }
0x47: {  	_ =	shalt  }
0x48: {  	_ =	shalt  }
0x49: {  	_ =	shalt  }
0x4a: {  	_ =	shalt  }
0x4b: {  	_ =	shalt  }
0x4c: {  	_ =	shalt  }
0x4d: {  	_ =	shalt  }
0x4e: {  	_ =	shalt  }
0x4f: {  	_ =	shalt  }
0x50: {  	_ =	shalt  }
0x51: {  	_ =	shalt  }
0x52: {  	_ =	shalt  }
0x53: {  	_ =	shalt  }
0x54: {  	_ =	shalt  }
0x55: {  	_ =	shalt  }
0x56: {  	_ =	shalt  }
0x57: {  	_ =	shalt  }
0x58: {  	_ =	shalt  }
0x59: {  	_ =	shalt  }
0x5a: {  	_ =	shalt  }
0x5b: {  	_ =	shalt  }
0x5c: {  	_ =	shalt  }
0x5d: {  	_ =	shalt  }
0x5e: {  	_ =	shalt  }
0x5f: {  	_ =	shalt  }
0x60: {  	_ =	shalt  }
0x61: {  	_ =	shalt  }
0x62: {  	_ =	shalt  }
0x63: {  	_ =	shalt  }
0x64: {  	_ =	shalt  }
0x65: {  	_ =	shalt  }
0x66: {  	_ =	shalt  }
0x67: {  	_ =	shalt  }
0x68: {  	_ =	shalt  }
0x69: {  	_ =	shalt  }
0x6a: {  	_ =	shalt  }
0x6b: {  	_ =	shalt  }
0x6c: {  	_ =	shalt  }
0x6d: {  	_ =	shalt  }
0x6e: {  	_ =	shalt  }
0x6f: {  	_ =	shalt  }
0x70: {  	_ =	shalt  }
0x71: {  	_ =	shalt  }
0x72: {  	_ =	shalt  }
0x73: {  	_ =	shalt  }
0x74: {  	_ =	shalt  }
0x75: {  	_ =	shalt  }
0x76: {  	_ =	shalt  }
0x77: {  	_ =	shalt  }
0x78: {  	_ =	shalt  }
0x79: {  	_ =	shalt  }
0x7a: {  	_ =	shalt  }
0x7b: {  	_ =	shalt  }
0x7c: {  	_ =	shalt  }
0x7d: {  	_ =	shalt  }
0x7e: {  	_ =	shalt  }
0x7f: {  	_ =	shalt  }
0x80: {  	_ =	shalt  }
0x81: {  	_ =	shalt  }
0x82: {  	_ =	shalt  }
0x83: {  	_ =	shalt  }
0x84: {  	_ =	shalt  }
0x85: {  	_ =	shalt  }
0x86: {  	_ =	shalt  }
0x87: {  	_ =	shalt  }
.Lfunc_end0:
.L_simem_size_0:
called_computation.3_lowered:
.L_overlay_start_0:
0x88: {  	s2 =	sld [smem:$0x3FD9]  }
0x89: {  	s3 =	sld [smem:$0x3FFE];
	_ =	sdelay $0x1  }
0x8a: {  	s1 =	srdreg.scid  }
0x8b: {  	s0 =	sand.u32 $0x1, s1  }
0x8c: {  	s14 =	sshll.u32 s0, $0xA;
	s2 =	sadd.s32 s3, s2  }
0x8d: {  	s2 =	sadd.s32 s2, s14  }
0x8e: {  	[smem:$0x3FC6] =	sst s2  }
0x8f: {  	_ = 	snop  }
0x90: {  	s2 =	sld [smem:$0x3FD0];
	_ =	sdelay $0x2  }
0x91: {  	s15 =	simm.s32 $0xD;
	s4 =	simm.s32 $0x10  }
0x92: {  	[smem:s4], [sflag:s15] =	dma.local [hbm:s2], $0x1  }
0x93: {  	_ =	swait.eq [sflag:s15], $0x1  }
0x94: {  	[sflag:s15] =	ssyncset.done $0x0  }
0x95: {  	[sflag:s15] =	ssyncadd.s32 $0xFFFFFFFF  }
0x96: {  	s16 =	sld [smem:$0x11];
	(tm) =	ssettm $0x1  }
0x97: {  	s17 =	sld [smem:$0x3FFB];
	_ =	sdelay $0x3  }
0x98: {  	_ =	strace s17  }
0x99: {  	s3 =	sld [smem:$0x3FFC];
	_ =	sdelay $0x3  }
0x9a: {  	_ =	strace s3  }
0x9b: {  	s3 =	sld [smem:$0x3FFD];
	_ =	sdelay $0x3  }
0x9c: {  	_ =	strace s3  }
0x9d: {  	_ =	strace $0x8FFFFFFF  }
0x9e: {  	s18 =	sld [smem:$0x3FDB];
	_ =	sdelay $0x1  }
0x9f: {  	s19 =	simm.s32 $_scs_section_size  }
0xa0: {  	s5 =	simm.s32 $_size__tile_overlayer_lowered;
	s6 =	simm.s32 $_tile_overlayer_lowered  }
0xa1: {  	s22 =	simm.s32 $0x1BFF;
	s21 =	sshll.u32 s6, $0x1;
	s3 =	sadd.s32 s19, s18  }
0xa2: {  	s7 =	simm.s32 $0x0;
	s20 =	sshll.u32 s5, $0x1;
	s5 =	sadd.s32 s21, s3  }
0xa3: {  	[timem:s7], [sflag:s22] =	dma.local [hbm:s5], s20  }
0xa4: {  	_ =	swait.ge [sflag:s22], s20  }
0xa5: {  	s4 =	ssub.s32 $0x0, s20;
	[sflag:s22] =	ssyncset.done $0x0  }
0xa6: {  	[sflag:s22] =	ssyncadd.s32 s4;
	_ =	sdelay $0x1  }
0xa7: {  	s23 =	simm.s32 $0x1B8B  }
0xa8: {  	_ =	swait.ge [sflag:s23], $0x1  }
0xa9: {  	[sflag:s23] =	ssyncset.done $0x0  }
0xaa: {  	s25 =	simm.s32 $0x1B8E;
	s24 =	sld [smem:$0x3FFE];
	[sflag:s23] =	ssyncadd.s32 $0xFFFFFFFF  }
0xab: {  	s26 =	simm.s32 $execute0_lowered;
	[smem:$0x3FD2] =	sst s25  }
0xac: {  	s5 =	sshll.u32 s26, $0x1;
	_ =	strace $0x80000046;
	[dreg:$0x1] =	wrdreg $0xFFFFFFFF  }
0xad: {  	s28 =	simm.s32 $_size_execute0_lowered;
	s3 =	sadd.s32 s3, s5;
	[dreg:$0x0] =	wrdreg $0x0  }
0xae: {  	s5 =	sshll.u32 s28, $0x1;
	[dreg:$0x2] =	wrdreg s3  }
0xaf: {  	[dreg:$0x3] =	wrdreg s5  }
0xb0: {  	[dreg:$0x4] =	wrdreg $0xC0  }
0xb1: {  	_ =	task [dreg:s7], $0x5FFFF  }
0xb2: {  	[dreg:$0x1] =	wrdreg $0xFFFFFFFF  }
0xb3: {  	[dreg:$0x0] =	wrdreg $0x60  }
0xb4: {  	[dreg:$0x2] =	wrdreg s16  }
0xb5: {  	[dreg:$0x3] =	wrdreg s24  }
0xb6: {  	[dreg:$0x4] =	wrdreg $0xC  }
0xb7: {  	_ =	task.clear_ibuf [dreg:s7], $0x5FFFF;
	_ =	strace $0x90000046  }
0xb8: {  	s29 =	simm.s32 $0xC;
	_ =	strace $0x80000048  }
0xb9: {  	_ =	swait.ge [sflag:s29], $0x1  }
0xba: {  	[sflag:s29] =	ssyncadd.s32 $0xFFFFFFFF  }
0xbb: {  	_ =	strace $0x90000048  }
0xbc: {  	_ =	sfence  }
0xbd: {  	s30 =	sld [smem:$0x0];
	_ =	sdelay $0x2  }
0xbe: {  	s31 =	sshll.u32 s1, $0xD;
	s1 =	sshrl.u32 s1, $0x2  }
0xbf: {  	s3 =	sand.u32 $0x4000, s31;
	s1 =	sadd.s32 s1, s30  }
0xc0: {  	s0 =	sor.u32 s3, s0;
	s1 =	sshll.u32 s1, $0x11  }
0xc1: {  	s0 =	sor.u32 s1, s0  }
0xc2: {  	s0 =	sadd.s32 $0x8F2B, s0  }
0xc3: {  	[sflag:s0] =	ssyncadd.remote.s32 $0x1  }
0xc4: {  	_ =	sfence.sel $0xFFFF  }
0xc5: {  	[dreg:$0x0] =	wrdreg $0xFFFFFFFF;
	(pc) =	sbr.abs _section_cstart, $3  }
0xc6: {  	[dreg:$0x1] =	wrdreg $0xFFFFFFFF  }
0xc7: {  	_ =	task.clear_ibuf [dreg:s7], $0x2FFFF;
	_ =	strace $0x9FFFFFFF  }
0xc8: {  	(tm) =	ssettm $0x7FFFFFFF  }
0xc9: {  	_ =	shalt  }
tec
execute0_lowered:
.L_overlay_start_1:
0x0: {  	(tag) =	ssettag $0x1  }
0x1: {  	s3 =	rddreg [dreg:$0x0];
	s0 =	srdreg.scid  }
0x2: {  	s4 =	rddreg [dreg:$0x1];
	s1 =	stileid.u32;
	s2 =	simm.s32 $0x0  }
0x3: {  	s5 =	sand.u32 $0x1, s0;
	s0 =	rddreg [dreg:$0x2];
	s6 =	sshll.u32 s1, $0x9  }
0x4: {  	[smem:$0x7FF] =	sst s2;
	s7 =	sshll.u32 s5, $0x8;
	s5 =	ssub.s32 $0x2, s5  }
0x5: {  	_ =	strace $0x80000047;
	s6 =	sor.u32 s7, s6;
	s8 =	sshrl.u32 s5, $0x1  }
0x6: {  	s7 =	sshrl.u32 s6, $0x1;
	s5 =	ssub.s32 s5, s8;
	s3 =	sadd.s32 s3, s6  }
0x7: {  	s6 =	simm.s32 $0x1;
	s8 =	simm.s32 $0x0;
	s4 =	sadd.s32 s7, s4  }
0x8: {  	v0 =	vimm.f32 $1.000000000e+00;
	v1 =	vimm.f32 $0.0e+00;
	s5 =	smax.u32 s5, $0x1;
	s7 =	simm.s32 $0x800;
	s4 =	sadd.s32 $0x2200, s4  }
.LBB2_1:
0x9: {  	[tilespmem:s2], [sflag:$0x1] =	stream.linear.gather [hbm4b:s3+s2], $0x800, $0x38;
	[tilespmem:$0xC00] =	vst v63  }
0xa: {  	s10 =	simm.s32 $0x0;
	_ =	swait.ge [sflag:s6], $0x800  }
0xb: {  	s9 =	sand.u32 $0x70, s2;
	s10 =	sand.u32 $0x3FFFFC00, s10;
	[sflag:s6] =	ssyncset.done $0x0  }
0xc: {  	s10 =	sor.u32 s9, s10;
	[sflag:s6] =	ssyncadd.s32 $0xFFFFF800  }
0xd: {  	v2 =	vld [tilespmem:s10+$0x80];
	_ =	sdelay $0x2  }
0xe: {  	v3 =	vld [tilespmem:s10+$0x0];
	_ =	sdelay $0x1  }
0xf: {  	v4 =	vld [tilespmem:s10+$0x100];
	vm0 =	vlt.f32 v2, $-Inf;
	vm1 =	vgt.f32 v2, $-Inf  }
0x10: {  	vm0 =	vmor vm1, vm0  }
0x11: {  	vm2 =	vmneg vm0  }
0x12: {  	v6 =	vld [tilespmem:s10+$0x180];
	vm0 =	vgt.f32 v2, v3;
	v5 =	vsel vm2, $0xFF800000, v2  }
0x13: {  	v5 =	vsel vm0, v3, v5  }
0x14: {  	v2 =	vsel vm0, v2, v3;
	vm3 =	vgt.f32 v4, v5  }
0x15: {  	v54 =	vld [tilespmem:s10+$0x200];
	vm1 =	vgt.f32 v4, v2;
	v3 =	vsel vm3, v4, v5  }
0x16: {  	v3 =	vsel vm1, v2, v3  }
0x17: {  	v2 =	vsel vm1, v4, v2;
	vm5 =	vgt.f32 v6, v3  }
0x18: {  	v55 =	vld [tilespmem:s10+$0x280];
	vm4 =	vgt.f32 v6, v2;
	v3 =	vsel vm5, v6, v3  }
0x19: {  	v3 =	vsel vm4, v2, v3  }
0x1a: {  	v2 =	vsel vm4, v6, v2;
	vm7 =	vgt.f32 v54, v3  }
0x1b: {  	v56 =	vld [tilespmem:s10+$0x300];
	vm6 =	vgt.f32 v54, v2;
	v3 =	vsel vm7, v54, v3  }
0x1c: {  	v3 =	vsel vm6, v2, v3  }
0x1d: {  	v2 =	vsel vm6, v54, v2;
	vm9 =	vgt.f32 v55, v3  }
0x1e: {  	v57 =	vld [tilespmem:s10+$0x380];
	vm8 =	vgt.f32 v55, v2;
	v3 =	vsel vm9, v55, v3  }
0x1f: {  	v3 =	vsel vm8, v2, v3  }
0x20: {  	v2 =	vsel vm8, v55, v2;
	vm12 =	vgt.f32 v56, v3  }
0x21: {  	vm11 =	vgt.f32 v56, v2;
	v3 =	vsel vm12, v56, v3  }
0x22: {  	v3 =	vsel vm11, v2, v3  }
0x23: {  	v2 =	vsel vm11, v56, v2;
	vm13 =	vgt.f32 v57, v3  }
0x24: {  	vm10 =	vgt.f32 v57, v2;
	v3 =	vsel vm13, v57, v3  }
0x25: {  	v3 =	vsel vm10, v2, v3;
	v2 =	vsel vm10, v57, v2  }
0x26: {  	v2 =	vsub.f32 v3, v2;
	_ =	sdelay $0x1  }
0x27: {  	v2 =	vmul.f32 $1.442695020e+00, v2;
	_ =	sdelay $0x1  }
0x28: {  	(erf) = vpow2.f32 v2;
	_ =	sdelay $0x8  }
0x29: {  	vm2 =	vmor vm0, vm2;
	v2 =	vpop (erf)  }
0x2a: {  	v3 =	vsel vm2, $0x0, v0;
	v58 =	vadd.f32 $1.000000000e+00, v2  }
0x2b: {  	v59 =	vsel vm0, $0x3F800000, v1;
	v3 =	vsel vm3, $0x40000000, v3  }
0x2c: {  	v3 =	vsel vm1, v59, v3;
	(erf) = vrcp.f32 v58  }
0x2d: {  	v60 =	vsel vm1, $0x40000000, v59;
	v3 =	vsel vm5, $0x40400000, v3  }
0x2e: {  	v3 =	vsel vm4, v60, v3  }
0x2f: {  	v4 =	vsel vm4, $0x40400000, v60;
	v3 =	vsel vm7, $0x40800000, v3  }
0x30: {  	v3 =	vsel vm6, v4, v3  }
0x31: {  	v4 =	vsel vm6, $0x40800000, v4;
	v3 =	vsel vm9, $0x40A00000, v3  }
0x32: {  	v3 =	vsel vm8, v4, v3  }
0x33: {  	s31 =	simm.s32 $0x0;
	v4 =	vsel vm8, $0x40A00000, v4;
	v3 =	vsel vm12, $0x40C00000, v3  }
0x34: {  	s10 =	sand.u32 $0x3FFFFE00, s31;
	v3 =	vsel vm11, v4, v3;
	v4 =	vsel vm11, $0x40C00000, v4  }
0x35: {  	s13 =	sor.u32 s9, s10;
	v3 =	vsel vm13, $0x40E00000, v3;
	v61 =	vsel vm10, $0x40E00000, v4;
	v62 =	vpop (erf)  }
0x36: {  	v3 =	vsel vm10, v4, v3;
	[tilespmem:s13+$0x800] =	vst v61;
	v63 =	vmul.f32 v62, v2  }
0x37: {  	s14 =	simm.s32 $0x80;
	s11 =	simm.s32 $0x10;
	s12 =	simm.s32 $0x2;
	[tilespmem:s13+$0x880] =	vst v3  }
0x38: {  	s14 =	sand.u32 $0x3FFFFC00, s14;
	s9 =	simm.s32 $0x1;
	s10 =	sand.u32 $0x70, s11;
	v2 =	vsub.f32 $1.000000000e+00, v63;
	[tilespmem:s13+$0x980] =	vst v63  }
.LBB2_2:
0x39: {  	p0 =	sne.s32 s12, $0xF  }
0x3a: {  	s14 =	sor.u32 s10, s14;
	[tilespmem:s13+$0x900] =	vst v2;
	s13 =	smov.u32 s12;
	s12 =	sadd.s32 $0x1, s12  }
0x3b: {  	v2 =	vld [tilespmem:s14+$0x80];
	_ =	sdelay $0x2  }
0x3c: {  	v3 =	vld [tilespmem:s14+$0x0];
	_ =	sdelay $0x1  }
0x3d: {  	vm0 =	vlt.f32 v2, $-Inf;
	vm1 =	vgt.f32 v2, $-Inf;
	v4 =	vld [tilespmem:s14+$0x100]  }
0x3e: {  	vm0 =	vmor vm1, vm0  }
0x3f: {  	vm0 =	vmneg vm0  }
0x40: {  	vm1 =	vgt.f32 v2, v3;
	v5 =	vsel vm0, $0xFF800000, v2;
	v6 =	vld [tilespmem:s14+$0x180]  }
0x41: {  	v5 =	vsel vm1, v3, v5;
	vm0 =	vmor vm1, vm0;
	v2 =	vsel vm1, v2, v3  }
0x42: {  	v7 =	vsel vm1, $0x3F800000, v1;
	v3 =	vsel vm0, $0x0, v0;
	vm0 =	vgt.f32 v4, v5  }
0x43: {  	vm1 =	vgt.f32 v4, v2;
	v5 =	vsel vm0, v4, v5;
	v3 =	vsel vm0, $0x40000000, v3;
	v8 =	vld [tilespmem:s14+$0x200]  }
0x44: {  	v5 =	vsel vm1, v2, v5;
	v3 =	vsel vm1, v7, v3;
	v2 =	vsel vm1, v4, v2  }
0x45: {  	v4 =	vsel vm1, $0x40000000, v7;
	vm0 =	vgt.f32 v6, v5  }
0x46: {  	vm1 =	vgt.f32 v6, v2;
	v5 =	vsel vm0, v6, v5;
	v3 =	vsel vm0, $0x40400000, v3;
	v7 =	vld [tilespmem:s14+$0x280]  }
0x47: {  	v5 =	vsel vm1, v2, v5;
	v3 =	vsel vm1, v4, v3;
	v4 =	vsel vm1, $0x40400000, v4  }
0x48: {  	v2 =	vsel vm1, v6, v2;
	vm0 =	vgt.f32 v8, v5  }
0x49: {  	vm1 =	vgt.f32 v8, v2;
	v5 =	vsel vm0, v8, v5;
	v3 =	vsel vm0, $0x40800000, v3;
	v6 =	vld [tilespmem:s14+$0x300]  }
0x4a: {  	v5 =	vsel vm1, v2, v5;
	v3 =	vsel vm1, v4, v3  }
0x4b: {  	v2 =	vsel vm1, v8, v2;
	v4 =	vsel vm1, $0x40800000, v4;
	vm0 =	vgt.f32 v7, v5  }
0x4c: {  	vm1 =	vgt.f32 v7, v2;
	v5 =	vsel vm0, v7, v5;
	v3 =	vsel vm0, $0x40A00000, v3;
	v8 =	vld [tilespmem:s14+$0x380]  }
0x4d: {  	v5 =	vsel vm1, v2, v5;
	v3 =	vsel vm1, v4, v3;
	v4 =	vsel vm1, $0x40A00000, v4  }
0x4e: {  	v2 =	vsel vm1, v7, v2;
	vm0 =	vgt.f32 v6, v5  }
0x4f: {  	vm1 =	vgt.f32 v6, v2;
	v5 =	vsel vm0, v6, v5;
	v3 =	vsel vm0, $0x40C00000, v3  }
0x50: {  	v5 =	vsel vm1, v2, v5;
	v3 =	vsel vm1, v4, v3;
	v4 =	vsel vm1, $0x40C00000, v4  }
0x51: {  	s14 =	sshll.u32 s9, $0x6;
	s9 =	smov.u32 s13;
	v2 =	vsel vm1, v6, v2;
	vm0 =	vgt.f32 v8, v5  }
0x52: {  	s13 =	sand.u32 $0x3FFFFE00, s14;
	vm1 =	vgt.f32 v8, v2;
	v5 =	vsel vm0, v8, v5;
	v3 =	vsel vm0, $0x40E00000, v3  }
0x53: {  	s13 =	sor.u32 s10, s13;
	v6 =	vsel vm1, $0x40E00000, v4;
	v5 =	vsel vm1, v2, v5;
	v2 =	vsel vm1, v8, v2  }
0x54: {  	v3 =	vsel vm1, v4, v3;
	v2 =	vsub.f32 v5, v2;
	[tilespmem:s13+$0x800] =	vst v6  }
0x55: {  	[tilespmem:s13+$0x880] =	vst v3  }
0x56: {  	v2 =	vmul.f32 $1.442695020e+00, v2;
	_ =	sdelay $0x1  }
0x57: {  	(erf) = vpow2.f32 v2;
	_ =	sdelay $0x8  }
0x58: {  	v2 =	vpop (erf)  }
0x59: {  	v3 =	vadd.f32 $1.000000000e+00, v2;
	_ =	sdelay $0x1  }
0x5a: {  	(erf) = vrcp.f32 v3;
	_ =	sdelay $0x8  }
.Ltmp0:
0x5b: {  	v3 =	vpop (erf);
	(pc) =	sbr.rel @p0 .LBB2_2-.Ltmp0, $3  }
0x5c: {  	v3 =	vmul.f32 v3, v2;
	_ =	sdelay $0x1  }
0x5d: {  	s11 =	sadd.s32 $0x10, s11;
	s14 =	sshll.u32 s9, $0x7;
	v2 =	vsub.f32 $1.000000000e+00, v3;
	[tilespmem:s13+$0x980] =	vst v3  }
0x5e: {  	s10 =	sand.u32 $0x70, s11;
	s14 =	sand.u32 $0x3FFFFC00, s14  }
0x5f: {  	s11 =	sor.u32 s10, s14;
	[tilespmem:s13+$0x900] =	vst v2  }
0x60: {  	v2 =	vld [tilespmem:s11+$0x80];
	_ =	sdelay $0x2  }
0x61: {  	v3 =	vld [tilespmem:s11+$0x0];
	_ =	sdelay $0x1  }
0x62: {  	v4 =	vld [tilespmem:s11+$0x100];
	vm0 =	vlt.f32 v2, $-Inf;
	vm1 =	vgt.f32 v2, $-Inf  }
0x63: {  	vm0 =	vmor vm1, vm0  }
0x64: {  	vm1 =	vmneg vm0  }
0x65: {  	v6 =	vld [tilespmem:s11+$0x180];
	vm0 =	vgt.f32 v2, v3;
	v5 =	vsel vm1, $0xFF800000, v2  }
0x66: {  	v5 =	vsel vm0, v3, v5  }
0x67: {  	v2 =	vsel vm0, v2, v3;
	vm3 =	vgt.f32 v4, v5  }
0x68: {  	v55 =	vld [tilespmem:s11+$0x200];
	vm2 =	vgt.f32 v4, v2;
	v3 =	vsel vm3, v4, v5  }
0x69: {  	v3 =	vsel vm2, v2, v3  }
0x6a: {  	v2 =	vsel vm2, v4, v2;
	vm5 =	vgt.f32 v6, v3  }
0x6b: {  	v56 =	vld [tilespmem:s11+$0x280];
	vm4 =	vgt.f32 v6, v2;
	v3 =	vsel vm5, v6, v3  }
0x6c: {  	v3 =	vsel vm4, v2, v3  }
0x6d: {  	v2 =	vsel vm4, v6, v2;
	vm7 =	vgt.f32 v55, v3  }
0x6e: {  	v57 =	vld [tilespmem:s11+$0x300];
	vm6 =	vgt.f32 v55, v2;
	v3 =	vsel vm7, v55, v3  }
0x6f: {  	v3 =	vsel vm6, v2, v3  }
0x70: {  	v2 =	vsel vm6, v55, v2;
	vm10 =	vgt.f32 v56, v3  }
0x71: {  	v58 =	vld [tilespmem:s11+$0x380];
	vm8 =	vgt.f32 v56, v2;
	v3 =	vsel vm10, v56, v3  }
0x72: {  	v3 =	vsel vm8, v2, v3  }
0x73: {  	v2 =	vsel vm8, v56, v2;
	vm12 =	vgt.f32 v57, v3  }
0x74: {  	vm11 =	vgt.f32 v57, v2;
	v3 =	vsel vm12, v57, v3  }
0x75: {  	v3 =	vsel vm11, v2, v3  }
0x76: {  	v2 =	vsel vm11, v57, v2;
	vm13 =	vgt.f32 v58, v3  }
0x77: {  	vm9 =	vgt.f32 v58, v2;
	v3 =	vsel vm13, v58, v3  }
0x78: {  	v3 =	vsel vm9, v2, v3;
	v2 =	vsel vm9, v58, v2  }
0x79: {  	v2 =	vsub.f32 v3, v2;
	_ =	sdelay $0x1  }
0x7a: {  	v2 =	vmul.f32 $1.442695020e+00, v2;
	_ =	sdelay $0x1  }
0x7b: {  	(erf) = vpow2.f32 v2;
	_ =	sdelay $0x8  }
0x7c: {  	v2 =	vpop (erf)  }
0x7d: {  	vm1 =	vmor vm0, vm1;
	v3 =	vadd.f32 $1.000000000e+00, v2  }
0x7e: {  	v59 =	vsel vm1, $0x0, v0  }
0x7f: {  	v60 =	vsel vm0, $0x3F800000, v1;
	v4 =	vsel vm3, $0x40000000, v59;
	(erf) = vrcp.f32 v3  }
0x80: {  	v3 =	vsel vm2, v60, v4  }
0x81: {  	v61 =	vsel vm2, $0x40000000, v60;
	v3 =	vsel vm5, $0x40400000, v3  }
0x82: {  	v3 =	vsel vm4, v61, v3  }
0x83: {  	v4 =	vsel vm4, $0x40400000, v61;
	v3 =	vsel vm7, $0x40800000, v3  }
0x84: {  	v3 =	vsel vm6, v4, v3  }
0x85: {  	v4 =	vsel vm6, $0x40800000, v4;
	v3 =	vsel vm10, $0x40A00000, v3  }
0x86: {  	v3 =	vsel vm8, v4, v3  }
0x87: {  	s9 =	sshll.u32 s9, $0x6;
	v4 =	vsel vm8, $0x40A00000, v4;
	v3 =	vsel vm12, $0x40C00000, v3  }
0x88: {  	s9 =	sand.u32 $0x3FFFFE00, s9;
	v3 =	vsel vm11, v4, v3;
	v4 =	vsel vm11, $0x40C00000, v4;
	v62 =	vpop (erf)  }
0x89: {  	s9 =	sor.u32 s10, s9;
	v3 =	vsel vm13, $0x40E00000, v3;
	v63 =	vsel vm9, $0x40E00000, v4;
	v2 =	vmul.f32 v62, v2  }
0x8a: {  	v3 =	vsel vm9, v4, v3;
	[tilespmem:s9+$0x800] =	vst v63  }
0x8b: {  	s8 =	sadd.s32 $0x1, s8;
	[tilespmem:s9+$0x880] =	vst v3;
	v3 =	vsub.f32 $1.000000000e+00, v2  }
0x8c: {  	p0 =	sne.s32 s8, s5;
	[tilespmem:s9+$0x980] =	vst v2  }
.Ltmp1:
0x8d: {  	[tilespmem:s9+$0x900] =	vst v3;
	(pc) =	sbr.rel @p0 .LBB2_1-.Ltmp1, $4  }
0x8e: {  	[hbm4b:s4+s2] =	stream.linear.scatter [tilespmem:s7], [sflag:$0x1], $0x400, $0x38;
	[tilespmem:$0xC00] =	vst v63  }
0x8f: {  	_ =	swait.ge [sflag:s6], $0x400  }
0x90: {  	[sflag:s6] =	ssyncset.done $0x0  }
0x91: {  	[sflag:s6] =	ssyncadd.s32 $0xFFFFFC00  }
0x92: {  	_ =	sfence.sel $0x180000  }
0x93: {  	[bflag:$0x0] =	sbarrier.arrive $0xFFFF  }
0x94: {  	p0 =	sne.s32 s1, $0x0;
	_ =	strace $0x90000047  }
0x95: {  	s0 =	sadd.s32 @!p0 $0x100000, s0;
	[bflag:$0x2] =	sbarrier.arrive $0xFFFF  }
0x96: {  	[sflag:s0] =	ssyncadd.tile.s32 @!p0 $0x1;
	_ =	shalt  }
.Lfunc_end2:
_tile_overlayer_lowered:
.L_overlay_start_2:
0x97: {  	(tag) =	ssettag $0x2  }
0x98: {  	s0 =	rddreg [dreg:$0x0];
	s2 =	stileid.u32  }
0x99: {  	s1 =	rddreg [dreg:$0x1];
	p0 =	sne.s32 s2, $0x0  }
0x9a: {  	s3 =	rddreg [dreg:$0x2];
	[bflag:$0x3] =	sbarrier.arrive $0xFFFF;
	s2 =	simm.s32 @!p0 $0x1C01  }
0x9b: {  	[timem:s3], [sflag:s2] =	dma.local @!p0 [hbm:s0], s1  }
0x9c: {  	s0 =	simm.s32 @!p0 $0x1  }
0x9d: {  	_ =	swait.ge @!p0 [sflag:s0], s1  }
0x9e: {  	s1 =	ssub.s32 @!p0 $0x0, s1;
	[sflag:s0] =	ssyncset.done @!p0 $0x0  }
0x9f: {  	[sflag:s0] =	ssyncadd.s32 @!p0 s1  }
0xa0: {  	[bflag:$0x3] =	sbarrier.arrive $0xFFFF  }
0xa1: {  	_ =	shalt  }

</sc_bundles>
